<compile_context>
chip_gen: v7x
topology: tpu7x:2x2x1
jax: 0.10.2.dev20260603
libtpu: 0.0.44.dev20260713+nightly
codegen_flags: <defaults>
</compile_context>

<pallas_src>
import functools

import jax
import jax.numpy as jnp
from jax import lax
from jax.experimental import pallas as pl
from jax.experimental.pallas import tpu as pltpu
from jax.experimental.pallas import tpu_sc as plsc

N = 10000
NP = 10240
E = 160000
NTILES = 16
NBUF = 1
CHUNK = 128
QCH = 16
EP = 163840
EPT = EP // NTILES
NCH = EPT // CHUNK
JUNK = 10200
H = 256
HND = NP // 2
NJNK = 512
NACC = HND + NJNK
RPT = NACC // NTILES
OPT = HND // NTILES
BLK = 1024


_mesh = plsc.VectorSubcoreMesh(core_axis_name="c", subcore_axis_name="s")



NROW = NP // 128


@functools.partial(
    pl.kernel, mesh=_mesh,
    compiler_params=pltpu.CompilerParams(needs_layout_passes=False),
    out_type=jax.ShapeDtypeStruct((2, NROW, 128), jnp.float32),
    scratch_types=[
        pltpu.VMEM_SHARED((NROW, 128), jnp.float32),
        pltpu.VMEM((NROW, 128), jnp.float32),
        pltpu.VMEM((EPT,), jnp.int32),
        pltpu.VMEM((NROW,), jnp.int32),
    ],
)
def _deg_kernel(idx_hbm, zeros_hbm, iota_hbm, out_hbm, acc_sh, acc_v, idx_v,
                iota_v):
    c = lax.axis_index("c")
    s = lax.axis_index("s")
    pltpu.sync_copy(zeros_hbm, acc_v)

    @pl.when(s == 0)
    def _():
        pltpu.sync_copy(zeros_hbm, acc_sh)

    pltpu.sync_copy(idx_hbm.at[c, pl.ds(s * EPT, EPT)], idx_v)
    pltpu.sync_copy(iota_hbm, iota_v)
    ones = jnp.ones((16,), jnp.float32)

    def body(i, _):
        idx16 = idx_v[pl.ds(i * 16, 16)]
        row16 = lax.shift_right_logical(idx16, 7)
        col16 = lax.bitwise_and(idx16, 127)
        plsc.addupdate_scatter(acc_v, [row16, col16], ones)
        return _

    lax.fori_loop(0, EPT // 16, body, 0)
    plsc.subcore_barrier()
    pltpu.sync_copy(acc_v, acc_sh.at[iota_v], add=True)
    plsc.subcore_barrier()

    @pl.when(s == 0)
    def _():
        pltpu.sync_copy(acc_sh, out_hbm.at[c])


@functools.partial(
    pl.kernel, mesh=_mesh,
    out_type=jax.ShapeDtypeStruct((2, HND, 2, 128), jnp.float32),
    scratch_types=[
        pltpu.VMEM_SHARED((NACC, 2, 128), jnp.float32),
        pltpu.VMEM((QCH, CHUNK), jnp.int32),
        pltpu.VMEM((QCH, CHUNK), jnp.int32),
    ] + [pltpu.VMEM((CHUNK, 2, 128), jnp.float32)] * NBUF
      + [pltpu.SemaphoreType.DMA] * (2 * NBUF),
)
def _agg_kernel(hs_hbm, src_hbm, dst_hbm, zeros_hbm, out_hbm,
                acc_sh, src_q, dst_q, *bufs_sems):
    rows = bufs_sems[:NBUF]
    gsem = bufs_sems[NBUF:2 * NBUF]
    ssem = bufs_sems[2 * NBUF:]
    c = lax.axis_index("c")
    s = lax.axis_index("s")
    pltpu.sync_copy(zeros_hbm.at[pl.ds(s * RPT, RPT)],
                    acc_sh.at[pl.ds(s * RPT, RPT)])
    plsc.subcore_barrier()

    def phase(p, carry):
        pltpu.sync_copy(src_hbm.at[s, pl.ds(p * QCH, QCH)], src_q)
        pltpu.sync_copy(dst_hbm.at[c, s, pl.ds(p * QCH, QCH)], dst_q)
        for b in range(NBUF):
            pltpu.make_async_copy(hs_hbm.at[src_q.at[b]], rows[b],
                                  gsem[b]).start()

        def outer(g, inner_carry):
            for b in range(NBUF):
                ch = g * NBUF + b
                pltpu.make_async_copy(hs_hbm.at[src_q.at[ch]], rows[b],
                                      gsem[b]).wait()
            for b in range(NBUF):
                ch = g * NBUF + b + NBUF

                @pl.when(ch < QCH)
                def _refill():
                    pltpu.make_async_copy(hs_hbm.at[src_q.at[ch]], rows[b],
                                          gsem[b]).start()
            return inner_carry

        lax.fori_loop(0, QCH // NBUF, outer, 0)
        return carry

    lax.fori_loop(0, NCH // QCH, phase, 0)
    plsc.subcore_barrier()
    pltpu.sync_copy(acc_sh.at[pl.ds(s * OPT, OPT)],
                    out_hbm.at[c, pl.ds(s * OPT, OPT)])



def _mm_first_body(x_ref, w_ref, dego_ref, out_ref):
    h = jnp.dot(x_ref[...], w_ref[...], preferred_element_type=jnp.float32)
    out_ref[...] = h * lax.rsqrt(jnp.maximum(dego_ref[...], 1.0))


def _mm_first(x, w, dego):
    return pl.pallas_call(
        _mm_first_body,
        grid=(NP // BLK,),
        in_specs=[
            pl.BlockSpec((BLK, x.shape[1]), lambda i: (i, 0)),
            pl.BlockSpec(w.shape, lambda i: (0, 0)),
            pl.BlockSpec((BLK, 1), lambda i: (i, 0)),
        ],
        out_specs=pl.BlockSpec((BLK, H), lambda i: (i, 0)),
        out_shape=jax.ShapeDtypeStruct((NP, H), jnp.float32),
    )(x, w, dego)


def _mm_mid_body(agg_ref, degi_ref, b_ref, w_ref, dego_ref, out_ref):
    ndst = lax.rsqrt(jnp.maximum(degi_ref[...], 1.0))
    x = jnp.maximum(agg_ref[...] * ndst + b_ref[...], 0.0)
    h = jnp.dot(x, w_ref[...], preferred_element_type=jnp.float32)
    out_ref[...] = h * lax.rsqrt(jnp.maximum(dego_ref[...], 1.0))


def _mm_mid(agg, degi, b, w, dego):
    return pl.pallas_call(
        _mm_mid_body,
        grid=(NP // BLK,),
        in_specs=[
            pl.BlockSpec((BLK, H), lambda i: (i, 0)),
            pl.BlockSpec((BLK, 1), lambda i: (i, 0)),
            pl.BlockSpec((1, H), lambda i: (0, 0)),
            pl.BlockSpec((H, H), lambda i: (0, 0)),
            pl.BlockSpec((BLK, 1), lambda i: (i, 0)),
        ],
        out_specs=pl.BlockSpec((BLK, H), lambda i: (i, 0)),
        out_shape=jax.ShapeDtypeStruct((NP, H), jnp.float32),
    )(agg, degi, b, w, dego)


def _mm_fc_body(agg_ref, degi_ref, b_ref, w_ref, bfc_ref, out_ref):
    ndst = lax.rsqrt(jnp.maximum(degi_ref[...], 1.0))
    x = jnp.maximum(agg_ref[...] * ndst + b_ref[...], 0.0)
    out_ref[...] = (jnp.dot(x, w_ref[...], preferred_element_type=jnp.float32)
                    + bfc_ref[...])


def _mm_fc(agg, degi, b, wfc, bfc):
    return pl.pallas_call(
        _mm_fc_body,
        grid=(NP // BLK,),
        in_specs=[
            pl.BlockSpec((BLK, H), lambda i: (i, 0)),
            pl.BlockSpec((BLK, 1), lambda i: (i, 0)),
            pl.BlockSpec((1, H), lambda i: (0, 0)),
            pl.BlockSpec((H, 128), lambda i: (0, 0)),
            pl.BlockSpec((1, 128), lambda i: (0, 0)),
        ],
        out_specs=pl.BlockSpec((BLK, 128), lambda i: (i, 0)),
        out_shape=jax.ShapeDtypeStruct((NP, 128), jnp.float32),
    )(agg, degi, b, wfc, bfc)



def kernel(features, edge_index, W1, b1, W2, b2, W3, b3, Wfc, bfc):
    f32 = jnp.float32
    src = edge_index[0].astype(jnp.int32)
    dst = edge_index[1].astype(jnp.int32)
    pad = EP - E
    src_p = jnp.concatenate([src, jnp.full((pad,), JUNK, jnp.int32)])
    dst_p = jnp.concatenate([dst, jnp.full((pad,), JUNK, jnp.int32)])
    junk_rows = HND + (jnp.arange(EP, dtype=jnp.int32) % NJNK)
    dst_c0 = jnp.where(dst_p < HND, dst_p, junk_rows)
    dst_c1 = jnp.where(dst_p >= HND, dst_p - HND, junk_rows)
    dst2 = jnp.stack([dst_c0, dst_c1]).reshape(2, NTILES, NCH, CHUNK)
    src_t = src_p.reshape(NTILES, NCH, CHUNK)
    deg_idx = jnp.stack([src_p, dst_p])

    zeros80 = jnp.zeros((NROW, 128), f32)
    iota80 = jnp.arange(NROW, dtype=jnp.int32)
    zeros_acc = jnp.zeros((NACC, 2, 128), f32)

    degs = _deg_kernel(deg_idx, zeros80, iota80)
    dego = degs[0].reshape(NP, 1)
    degi = degs[1].reshape(NP, 1)

    feats_p = jnp.pad(features, ((0, NP - N), (0, 1)))
    w1_p = jnp.pad(W1, ((0, 1), (0, 0)))
    b1r = b1.reshape(1, H)
    b2r = b2.reshape(1, H)
    b3r = b3.reshape(1, H)
    wfc_p = jnp.pad(Wfc, ((0, 0), (0, 128 - Wfc.shape[1])))
    bfc_p = jnp.pad(bfc, ((0, 128 - bfc.shape[0]),)).reshape(1, 128)

    hs = _mm_first(feats_p, w1_p, dego).reshape(NP, 2, 128)
    agg = _agg_kernel(hs, src_t, dst2, zeros_acc).reshape(NP, H)
    hs = _mm_mid(agg, degi, b1r, W2, dego).reshape(NP, 2, 128)
    agg = _agg_kernel(hs, src_t, dst2, zeros_acc).reshape(NP, H)
    hs = _mm_mid(agg, degi, b2r, W3, dego).reshape(NP, 2, 128)
    agg = _agg_kernel(hs, src_t, dst2, zeros_acc).reshape(NP, H)
    out = _mm_fc(agg, degi, b3r, wfc_p, bfc_p)
    return out[:N, :Wfc.shape[1]]

# --- scband reference (transcript-rebuilt; emitter-appended) ---
"""Pipeline reference for scband-net-17351667876196 (READ-ONLY COPY).

The authoritative reference and input builder live on the scoring server;
editing this copy changes nothing except your own understanding.
"""

import jax, jax.numpy as jnp
import numpy as np

N_NODES = 10000
N_EDGES = 160000

def setup_inputs(seed: int = 0) -> dict:
    key = jax.random.key(seed)
    ks = jax.random.split(key, 10)
    features = jax.random.normal(ks[0], (N_NODES, 767), dtype=jnp.float32)
    edge_index = jax.random.randint(ks[1], (2, N_EDGES), 0, N_NODES, dtype=jnp.int64)
    def glorot(k, shape):
        fan_in, fan_out = shape[0], shape[1]
        lim = jnp.sqrt(6.0 / (fan_in + fan_out))
        return jax.random.uniform(k, shape, dtype=jnp.float32, minval=-lim, maxval=lim)
    W1 = glorot(ks[2], (767, 256)); b1 = jnp.zeros((256,), dtype=jnp.float32)
    W2 = glorot(ks[3], (256, 256)); b2 = jnp.zeros((256,), dtype=jnp.float32)
    W3 = glorot(ks[4], (256, 256)); b3 = jnp.zeros((256,), dtype=jnp.float32)
    Wfc = glorot(ks[5], (256, 10)); bfc = jnp.zeros((10,), dtype=jnp.float32)
    return {"features": features, "edge_index": edge_index,
            "W1": W1, "b1": b1, "W2": W2, "b2": b2, "W3": W3, "b3": b3,
            "Wfc": Wfc, "bfc": bfc}

def gcn_conv(x, W, b, src, dst, n_nodes):
    # DGL GraphConv with norm='both': D^{-1/2} A D^{-1/2} X W + b
    ones = jnp.ones((src.shape[0],), dtype=x.dtype)
    deg_out = jax.ops.segment_sum(ones, src, num_segments=n_nodes)
    deg_in = jax.ops.segment_sum(ones, dst, num_segments=n_nodes)
    norm_src = jax.lax.rsqrt(jnp.clip(deg_out, 1.0, None))
    norm_dst = jax.lax.rsqrt(jnp.clip(deg_in, 1.0, None))
    h = x @ W  # apply weight first (out_dim <= in_dim), same math
    m = h[src] * norm_src[src][:, None]
    agg = jax.ops.segment_sum(m, dst, num_segments=n_nodes)
    return agg * norm_dst[:, None] + b

def reference(features, edge_index, W1, b1, W2, b2, W3, b3, Wfc, bfc):
    src = edge_index[0]
    dst = edge_index[1]
    n = features.shape[0]
    x = jax.nn.relu(gcn_conv(features, W1, b1, src, dst, n))
    x = jax.nn.relu(gcn_conv(x, W2, b2, src, dst, n))
    x = jax.nn.relu(gcn_conv(x, W3, b3, src, dst, n))
    x = x @ Wfc + bfc
    return x

if __name__ == "__main__":
    import jax
    _d = setup_inputs()
    print(jax.jit(kernel)(*tuple(_d.values())))

</pallas_src>

<mosaic_0001>
#map = affine_map<(d0, d1) -> (0, 0, 0)>
#map1 = affine_map<(d0, d1) -> (0, 0, 0, 0)>
module attributes {stable_mosaic.version = 14 : i64} {
  func.func @_agg_kernel(%arg0: i32, %arg1: i32, %arg2: memref<10240x2x128xf32, #tpu.memory_space<hbm>>, %arg3: memref<16x80x128xi32, #tpu.memory_space<hbm>>, %arg4: memref<2x16x80x128xi32, #tpu.memory_space<hbm>>, %arg5: memref<5632x2x128xf32, #tpu.memory_space<hbm>>, %arg6: memref<2x5120x2x128xf32, #tpu.memory_space<hbm>>, %arg7: memref<5632x2x128xf32, #tpu.memory_space<vmem_shared>>, %arg8: memref<16x128xi32, #tpu.memory_space<vmem>>, %arg9: memref<16x128xi32, #tpu.memory_space<vmem>>, %arg10: memref<128x2x128xf32, #tpu.memory_space<vmem>>, %arg11: memref<!tpu.dma_semaphore, #tpu.memory_space<semaphore_mem>>, %arg12: memref<!tpu.dma_semaphore, #tpu.memory_space<semaphore_mem>>) attributes {dimension_semantics = [#tpu.dimension_semantics<core_parallel>, #tpu.dimension_semantics<subcore_parallel>], iteration_bounds = array<i64: 2, 16>, scalar_prefetch = 0 : i64, scratch_operands = 6 : i64, tpu.core_type = #tpu.core_type<sc_vector_subcore>, window_params = [{transform_indices = #map}, {transform_indices = #map}, {transform_indices = #map1}, {transform_indices = #map}, {transform_indices = #map1}]} {
    %mul3A = arith.constant 352 : i32
    %mul3A_0 = arith.muli %arg1, %mul3A : i32
    %mul3A_1 = arith.constant 352 : i32
    %mul3A_2 = arith.muli %arg1, %mul3A_1 : i32
    "tpu.region"() ({
      %run_scoped3A = tpu.sem_alloc : memref<!tpu.dma_semaphore, #tpu.memory_space<semaphore_mem>>
      %dma_start3A = arith.constant 0 : i32
      %dma_start3A_13 = arith.constant 0 : i32
      %dma_start3A_14 = tpu.memref_slice %arg7[%mul3A_2, %dma_start3A, %dma_start3A_13] : memref<5632x2x128xf32, #tpu.memory_space<vmem_shared>> -> memref<352x2x128xf32, #tpu.memory_space<vmem_shared>>
      %dma_start3A_15 = arith.constant 0 : i32
      %dma_start3A_16 = arith.constant 0 : i32
      %dma_start3A_17 = tpu.memref_slice %arg5[%mul3A_0, %dma_start3A_15, %dma_start3A_16] : memref<5632x2x128xf32, #tpu.memory_space<hbm>> -> memref<352x2x128xf32, #tpu.memory_space<hbm>>
      tpu.enqueue_dma source(%dma_start3A_17 : memref<352x2x128xf32, #tpu.memory_space<hbm>>) target(%dma_start3A_14 : memref<352x2x128xf32, #tpu.memory_space<vmem_shared>>) target_semaphore(%run_scoped3A : memref<!tpu.dma_semaphore, #tpu.memory_space<semaphore_mem>>)
      %dma_wait3A = arith.constant 0 : i32
      %dma_wait3A_18 = arith.constant 0 : i32
      %dma_wait3A_19 = tpu.memref_slice %arg7[%mul3A_2, %dma_wait3A, %dma_wait3A_18] : memref<5632x2x128xf32, #tpu.memory_space<vmem_shared>> -> memref<352x2x128xf32, #tpu.memory_space<vmem_shared>>
      %dma_wait3A_20 = arith.constant 0 : i32
      %dma_wait3A_21 = arith.constant 0 : i32
      %dma_wait3A_22 = tpu.memref_slice %arg5[%mul3A_0, %dma_wait3A_20, %dma_wait3A_21] : memref<5632x2x128xf32, #tpu.memory_space<hbm>> -> memref<352x2x128xf32, #tpu.memory_space<hbm>>
      tpu.wait_dma2 semaphore(%run_scoped3A : memref<!tpu.dma_semaphore, #tpu.memory_space<semaphore_mem>>) src(%dma_wait3A_22 : memref<352x2x128xf32, #tpu.memory_space<hbm>>) dst(%dma_wait3A_19 : memref<352x2x128xf32, #tpu.memory_space<vmem_shared>>)
      tpu.yield
    }) : () -> ()
    %barrier3A = arith.constant 0 : index
    tpu.barrier barrier_id(%barrier3A)
    %scan3A = arith.constant 0 : i32
    %scan3A_3 = arith.constant 0 : i32
    %scan3A_4 = arith.constant 5 : i32
    %scan3A_5 = arith.addi %scan3A_3, %scan3A_4 : i32
    %scan3A_6 = arith.constant 1 : i32
    scf.for %scan3A_13 = %scan3A_3 to %scan3A_5 step %scan3A_6  : i32 {
      %mul3A_14 = arith.constant 16 : i32
      %mul3A_15 = arith.muli %scan3A_13, %mul3A_14 : i32
      "tpu.region"() ({
        %run_scoped3A = tpu.sem_alloc : memref<!tpu.dma_semaphore, #tpu.memory_space<semaphore_mem>>
        %dma_start3A_31 = arith.constant 0 : i32
        %dma_start3A_32 = tpu.memref_slice %arg3[%arg1, %mul3A_15, %dma_start3A_31] : memref<16x80x128xi32, #tpu.memory_space<hbm>> -> memref<1x16x128xi32, #tpu.memory_space<hbm>>
        %dma_start3A_33 = tpu.memref_squeeze %dma_start3A_32 : memref<1x16x128xi32, #tpu.memory_space<hbm>> -> memref<16x128xi32, #tpu.memory_space<hbm>>
        %dma_start3A_34 = arith.constant 0 : i32
        %dma_start3A_35 = tpu.memref_slice %arg3[%arg1, %mul3A_15, %dma_start3A_34] : memref<16x80x128xi32, #tpu.memory_space<hbm>> -> memref<1x16x128xi32, #tpu.memory_space<hbm>>
        %dma_start3A_36 = tpu.memref_squeeze %dma_start3A_35 : memref<1x16x128xi32, #tpu.memory_space<hbm>> -> memref<16x128xi32, #tpu.memory_space<hbm>>
        tpu.enqueue_dma source(%dma_start3A_36 : memref<16x128xi32, #tpu.memory_space<hbm>>) target(%arg8 : memref<16x128xi32, #tpu.memory_space<vmem>>) target_semaphore(%run_scoped3A : memref<!tpu.dma_semaphore, #tpu.memory_space<semaphore_mem>>)
        %dma_wait3A = arith.constant 0 : i32
        %dma_wait3A_37 = tpu.memref_slice %arg3[%arg1, %mul3A_15, %dma_wait3A] : memref<16x80x128xi32, #tpu.memory_space<hbm>> -> memref<1x16x128xi32, #tpu.memory_space<hbm>>
        %dma_wait3A_38 = tpu.memref_squeeze %dma_wait3A_37 : memref<1x16x128xi32, #tpu.memory_space<hbm>> -> memref<16x128xi32, #tpu.memory_space<hbm>>
        %dma_wait3A_39 = arith.constant 0 : i32
        %dma_wait3A_40 = tpu.memref_slice %arg3[%arg1, %mul3A_15, %dma_wait3A_39] : memref<16x80x128xi32, #tpu.memory_space<hbm>> -> memref<1x16x128xi32, #tpu.memory_space<hbm>>
        %dma_wait3A_41 = tpu.memref_squeeze %dma_wait3A_40 : memref<1x16x128xi32, #tpu.memory_space<hbm>> -> memref<16x128xi32, #tpu.memory_space<hbm>>
        tpu.wait_dma2 semaphore(%run_scoped3A : memref<!tpu.dma_semaphore, #tpu.memory_space<semaphore_mem>>) src(%dma_wait3A_41 : memref<16x128xi32, #tpu.memory_space<hbm>>) dst(%arg8 : memref<16x128xi32, #tpu.memory_space<vmem>>)
        tpu.yield
      }) : () -> ()
      %mul3A_16 = arith.constant 16 : i32
      %mul3A_17 = arith.muli %scan3A_13, %mul3A_16 : i32
      "tpu.region"() ({
        %run_scoped3A = tpu.sem_alloc : memref<!tpu.dma_semaphore, #tpu.memory_space<semaphore_mem>>
        %dma_start3A_31 = arith.constant 0 : i32
        %dma_start3A_32 = tpu.memref_slice %arg4[%arg0, %arg1, %mul3A_17, %dma_start3A_31] : memref<2x16x80x128xi32, #tpu.memory_space<hbm>> -> memref<1x1x16x128xi32, #tpu.memory_space<hbm>>
        %dma_start3A_33 = tpu.memref_squeeze %dma_start3A_32 : memref<1x1x16x128xi32, #tpu.memory_space<hbm>> -> memref<16x128xi32, #tpu.memory_space<hbm>>
        %dma_start3A_34 = arith.constant 0 : i32
        %dma_start3A_35 = tpu.memref_slice %arg4[%arg0, %arg1, %mul3A_17, %dma_start3A_34] : memref<2x16x80x128xi32, #tpu.memory_space<hbm>> -> memref<1x1x16x128xi32, #tpu.memory_space<hbm>>
        %dma_start3A_36 = tpu.memref_squeeze %dma_start3A_35 : memref<1x1x16x128xi32, #tpu.memory_space<hbm>> -> memref<16x128xi32, #tpu.memory_space<hbm>>
        tpu.enqueue_dma source(%dma_start3A_36 : memref<16x128xi32, #tpu.memory_space<hbm>>) target(%arg9 : memref<16x128xi32, #tpu.memory_space<vmem>>) target_semaphore(%run_scoped3A : memref<!tpu.dma_semaphore, #tpu.memory_space<semaphore_mem>>)
        %dma_wait3A = arith.constant 0 : i32
        %dma_wait3A_37 = tpu.memref_slice %arg4[%arg0, %arg1, %mul3A_17, %dma_wait3A] : memref<2x16x80x128xi32, #tpu.memory_space<hbm>> -> memref<1x1x16x128xi32, #tpu.memory_space<hbm>>
        %dma_wait3A_38 = tpu.memref_squeeze %dma_wait3A_37 : memref<1x1x16x128xi32, #tpu.memory_space<hbm>> -> memref<16x128xi32, #tpu.memory_space<hbm>>
        %dma_wait3A_39 = arith.constant 0 : i32
        %dma_wait3A_40 = tpu.memref_slice %arg4[%arg0, %arg1, %mul3A_17, %dma_wait3A_39] : memref<2x16x80x128xi32, #tpu.memory_space<hbm>> -> memref<1x1x16x128xi32, #tpu.memory_space<hbm>>
        %dma_wait3A_41 = tpu.memref_squeeze %dma_wait3A_40 : memref<1x1x16x128xi32, #tpu.memory_space<hbm>> -> memref<16x128xi32, #tpu.memory_space<hbm>>
        tpu.wait_dma2 semaphore(%run_scoped3A : memref<!tpu.dma_semaphore, #tpu.memory_space<semaphore_mem>>) src(%dma_wait3A_41 : memref<16x128xi32, #tpu.memory_space<hbm>>) dst(%arg9 : memref<16x128xi32, #tpu.memory_space<vmem>>)
        tpu.yield
      }) : () -> ()
      %dma_start3A = arith.constant 0 : i32
      %dma_start3A_18 = arith.constant 0 : i32
      %dma_start3A_19 = tpu.memref_slice %arg8[%dma_start3A, %dma_start3A_18] : memref<16x128xi32, #tpu.memory_space<vmem>> -> memref<1x128xi32, #tpu.memory_space<vmem>>
      %dma_start3A_20 = tpu.memref_squeeze %dma_start3A_19 : memref<1x128xi32, #tpu.memory_space<vmem>> -> memref<128xi32, #tpu.memory_space<vmem>>
      %dma_start3A_21 = arith.constant 0 : i32
      %dma_start3A_22 = arith.constant 0 : i32
      %dma_start3A_23 = arith.constant 0 : i32
      %dma_start3A_24 = tpu.memref_slice %arg2[%dma_start3A_21, %dma_start3A_22, %dma_start3A_23] : memref<10240x2x128xf32, #tpu.memory_space<hbm>> -> memref<10240x2x128xf32, #tpu.memory_space<hbm>>
      tpu.enqueue_indirect_dma source(%dma_start3A_24 : memref<10240x2x128xf32, #tpu.memory_space<hbm>>) target(%arg10 : memref<128x2x128xf32, #tpu.memory_space<vmem>>) offsets(%dma_start3A_20 : memref<128xi32, #tpu.memory_space<vmem>>) semaphore(%arg11 : memref<!tpu.dma_semaphore, #tpu.memory_space<semaphore_mem>>)
      %scan3A_25 = arith.constant 0 : i32
      %scan3A_26 = arith.constant 0 : i32
      %scan3A_27 = arith.constant 16 : i32
      %scan3A_28 = arith.addi %scan3A_26, %scan3A_27 : i32
      %scan3A_29 = arith.constant 1 : i32
      scf.for %scan3A_31 = %scan3A_26 to %scan3A_28 step %scan3A_29  : i32 {
        %mul3A_32 = arith.constant 1 : i32
        %mul3A_33 = arith.muli %scan3A_31, %mul3A_32 : i32
        %add3A = arith.constant 0 : i32
        %add3A_34 = arith.addi %mul3A_33, %add3A : i32
        %dma_wait3A = arith.constant 0 : i32
        %dma_wait3A_35 = tpu.memref_slice %arg8[%add3A_34, %dma_wait3A] : memref<16x128xi32, #tpu.memory_space<vmem>> -> memref<1x128xi32, #tpu.memory_space<vmem>>
        %dma_wait3A_36 = tpu.memref_squeeze %dma_wait3A_35 : memref<1x128xi32, #tpu.memory_space<vmem>> -> memref<128xi32, #tpu.memory_space<vmem>>
        %dma_wait3A_37 = arith.constant 0 : i32
        %dma_wait3A_38 = arith.constant 0 : i32
        %dma_wait3A_39 = arith.constant 0 : i32
        %dma_wait3A_40 = tpu.memref_slice %arg2[%dma_wait3A_37, %dma_wait3A_38, %dma_wait3A_39] : memref<10240x2x128xf32, #tpu.memory_space<hbm>> -> memref<10240x2x128xf32, #tpu.memory_space<hbm>>
        tpu.wait_indirect_dma semaphore(%arg11 : memref<!tpu.dma_semaphore, #tpu.memory_space<semaphore_mem>>) src(%dma_wait3A_40 : memref<10240x2x128xf32, #tpu.memory_space<hbm>>) dst(%arg10 : memref<128x2x128xf32, #tpu.memory_space<vmem>>)
        %mul3A_41 = arith.constant 1 : i32
        %mul3A_42 = arith.muli %scan3A_31, %mul3A_41 : i32
        %add3A_43 = arith.constant 0 : i32
        %add3A_44 = arith.addi %mul3A_42, %add3A_43 : i32
        %add3A_45 = arith.constant 1 : i32
        %add3A_46 = arith.addi %add3A_44, %add3A_45 : i32
        %lt3A = arith.constant 16 : i32
        %lt3A_47 = arith.cmpi slt, %add3A_46, %lt3A : i32
        %convert_element_type3A = arith.extui %lt3A_47 : i1 to i32
        %cond3A = arith.constant 0 : i32
        %cond3A_48 = arith.cmpi ne, %convert_element_type3A, %cond3A : i32
        scf.if %cond3A_48 {
          %dma_start3A_49 = arith.constant 0 : i32
          %dma_start3A_50 = tpu.memref_slice %arg8[%add3A_46, %dma_start3A_49] : memref<16x128xi32, #tpu.memory_space<vmem>> -> memref<1x128xi32, #tpu.memory_space<vmem>>
          %dma_start3A_51 = tpu.memref_squeeze %dma_start3A_50 : memref<1x128xi32, #tpu.memory_space<vmem>> -> memref<128xi32, #tpu.memory_space<vmem>>
          %dma_start3A_52 = arith.constant 0 : i32
          %dma_start3A_53 = arith.constant 0 : i32
          %dma_start3A_54 = arith.constant 0 : i32
          %dma_start3A_55 = tpu.memref_slice %arg2[%dma_start3A_52, %dma_start3A_53, %dma_start3A_54] : memref<10240x2x128xf32, #tpu.memory_space<hbm>> -> memref<10240x2x128xf32, #tpu.memory_space<hbm>>
          tpu.enqueue_indirect_dma source(%dma_start3A_55 : memref<10240x2x128xf32, #tpu.memory_space<hbm>>) target(%arg10 : memref<128x2x128xf32, #tpu.memory_space<vmem>>) offsets(%dma_start3A_51 : memref<128xi32, #tpu.memory_space<vmem>>) semaphore(%arg11 : memref<!tpu.dma_semaphore, #tpu.memory_space<semaphore_mem>>)
        } else {
        }
      }
      %scan3A_30 = arith.constant 16 : i32
    }
    %scan3A_7 = arith.constant 5 : i32
    %barrier3A_8 = arith.constant 0 : index
    tpu.barrier barrier_id(%barrier3A_8)
    %mul3A_9 = arith.constant 320 : i32
    %mul3A_10 = arith.muli %arg1, %mul3A_9 : i32
    %mul3A_11 = arith.constant 320 : i32
    %mul3A_12 = arith.muli %arg1, %mul3A_11 : i32
    "tpu.region"() ({
      %run_scoped3A = tpu.sem_alloc : memref<!tpu.dma_semaphore, #tpu.memory_space<semaphore_mem>>
      %dma_start3A = arith.constant 0 : i32
      %dma_start3A_13 = arith.constant 0 : i32
      %dma_start3A_14 = tpu.memref_slice %arg6[%arg0, %mul3A_12, %dma_start3A, %dma_start3A_13] : memref<2x5120x2x128xf32, #tpu.memory_space<hbm>> -> memref<1x320x2x128xf32, #tpu.memory_space<hbm>>
      %dma_start3A_15 = tpu.memref_squeeze %dma_start3A_14 : memref<1x320x2x128xf32, #tpu.memory_space<hbm>> -> memref<320x2x128xf32, #tpu.memory_space<hbm>>
      %dma_start3A_16 = arith.constant 0 : i32
      %dma_start3A_17 = arith.constant 0 : i32
      %dma_start3A_18 = tpu.memref_slice %arg7[%mul3A_10, %dma_start3A_16, %dma_start3A_17] : memref<5632x2x128xf32, #tpu.memory_space<vmem_shared>> -> memref<320x2x128xf32, #tpu.memory_space<vmem_shared>>
      tpu.enqueue_dma source(%dma_start3A_18 : memref<320x2x128xf32, #tpu.memory_space<vmem_shared>>) target(%dma_start3A_15 : memref<320x2x128xf32, #tpu.memory_space<hbm>>) target_semaphore(%run_scoped3A : memref<!tpu.dma_semaphore, #tpu.memory_space<semaphore_mem>>)
      %dma_wait3A = arith.constant 0 : i32
      %dma_wait3A_19 = arith.constant 0 : i32
      %dma_wait3A_20 = tpu.memref_slice %arg6[%arg0, %mul3A_12, %dma_wait3A, %dma_wait3A_19] : memref<2x5120x2x128xf32, #tpu.memory_space<hbm>> -> memref<1x320x2x128xf32, #tpu.memory_space<hbm>>
      %dma_wait3A_21 = tpu.memref_squeeze %dma_wait3A_20 : memref<1x320x2x128xf32, #tpu.memory_space<hbm>> -> memref<320x2x128xf32, #tpu.memory_space<hbm>>
      %dma_wait3A_22 = arith.constant 0 : i32
      %dma_wait3A_23 = arith.constant 0 : i32
      %dma_wait3A_24 = tpu.memref_slice %arg7[%mul3A_10, %dma_wait3A_22, %dma_wait3A_23] : memref<5632x2x128xf32, #tpu.memory_space<vmem_shared>> -> memref<320x2x128xf32, #tpu.memory_space<vmem_shared>>
      tpu.wait_dma2 semaphore(%run_scoped3A : memref<!tpu.dma_semaphore, #tpu.memory_space<semaphore_mem>>) src(%dma_wait3A_24 : memref<320x2x128xf32, #tpu.memory_space<vmem_shared>>) dst(%dma_wait3A_21 : memref<320x2x128xf32, #tpu.memory_space<hbm>>)
      tpu.yield
    }) : () -> ()
    return
  }
}

#map = affine_map<(d0, d1) -> (0, 0, 0)>
#map1 = affine_map<(d0, d1) -> (0, 0, 0, 0)>
module attributes {stable_mosaic.version = 14 : i64} {
  func.func @_agg_kernel(%arg0: i32, %arg1: i32, %arg2: memref<10240x2x128xf32, #tpu.memory_space<hbm>>, %arg3: memref<16x80x128xi32, #tpu.memory_space<hbm>>, %arg4: memref<2x16x80x128xi32, #tpu.memory_space<hbm>>, %arg5: memref<5632x2x128xf32, #tpu.memory_space<hbm>>, %arg6: memref<2x5120x2x128xf32, #tpu.memory_space<hbm>>, %arg7: memref<5632x2x128xf32, #tpu.memory_space<vmem_shared>>, %arg8: memref<16x128xi32, #tpu.memory_space<vmem>>, %arg9: memref<16x128xi32, #tpu.memory_space<vmem>>, %arg10: memref<128x2x128xf32, #tpu.memory_space<vmem>>, %arg11: memref<!tpu.dma_semaphore, #tpu.memory_space<semaphore_mem>>, %arg12: memref<!tpu.dma_semaphore, #tpu.memory_space<semaphore_mem>>) attributes {dimension_semantics = [#tpu.dimension_semantics<core_parallel>, #tpu.dimension_semantics<subcore_parallel>], iteration_bounds = array<i64: 2, 16>, scalar_prefetch = 0 : i64, scratch_operands = 6 : i64, tpu.core_type = #tpu.core_type<sc_vector_subcore>, window_params = [{transform_indices = #map}, {transform_indices = #map}, {transform_indices = #map1}, {transform_indices = #map}, {transform_indices = #map1}]} {
    %mul3A = arith.constant 352 : i32
    %mul3A_0 = arith.muli %arg1, %mul3A : i32
    %mul3A_1 = arith.constant 352 : i32
    %mul3A_2 = arith.muli %arg1, %mul3A_1 : i32
    "tpu.region"() ({
      %run_scoped3A = tpu.sem_alloc : memref<!tpu.dma_semaphore, #tpu.memory_space<semaphore_mem>>
      %dma_start3A = arith.constant 0 : i32
      %dma_start3A_13 = arith.constant 0 : i32
      %dma_start3A_14 = tpu.memref_slice %arg7[%mul3A_2, %dma_start3A, %dma_start3A_13] : memref<5632x2x128xf32, #tpu.memory_space<vmem_shared>> -> memref<352x2x128xf32, #tpu.memory_space<vmem_shared>>
      %dma_start3A_15 = arith.constant 0 : i32
      %dma_start3A_16 = arith.constant 0 : i32
      %dma_start3A_17 = tpu.memref_slice %arg5[%mul3A_0, %dma_start3A_15, %dma_start3A_16] : memref<5632x2x128xf32, #tpu.memory_space<hbm>> -> memref<352x2x128xf32, #tpu.memory_space<hbm>>
      tpu.enqueue_dma source(%dma_start3A_17 : memref<352x2x128xf32, #tpu.memory_space<hbm>>) target(%dma_start3A_14 : memref<352x2x128xf32, #tpu.memory_space<vmem_shared>>) target_semaphore(%run_scoped3A : memref<!tpu.dma_semaphore, #tpu.memory_space<semaphore_mem>>)
      %dma_wait3A = arith.constant 0 : i32
      %dma_wait3A_18 = arith.constant 0 : i32
      %dma_wait3A_19 = tpu.memref_slice %arg7[%mul3A_2, %dma_wait3A, %dma_wait3A_18] : memref<5632x2x128xf32, #tpu.memory_space<vmem_shared>> -> memref<352x2x128xf32, #tpu.memory_space<vmem_shared>>
      %dma_wait3A_20 = arith.constant 0 : i32
      %dma_wait3A_21 = arith.constant 0 : i32
      %dma_wait3A_22 = tpu.memref_slice %arg5[%mul3A_0, %dma_wait3A_20, %dma_wait3A_21] : memref<5632x2x128xf32, #tpu.memory_space<hbm>> -> memref<352x2x128xf32, #tpu.memory_space<hbm>>
      tpu.wait_dma2 semaphore(%run_scoped3A : memref<!tpu.dma_semaphore, #tpu.memory_space<semaphore_mem>>) src(%dma_wait3A_22 : memref<352x2x128xf32, #tpu.memory_space<hbm>>) dst(%dma_wait3A_19 : memref<352x2x128xf32, #tpu.memory_space<vmem_shared>>)
      tpu.yield
    }) : () -> ()
    %barrier3A = arith.constant 0 : index
    tpu.barrier barrier_id(%barrier3A)
    %scan3A = arith.constant 0 : i32
    %scan3A_3 = arith.constant 0 : i32
    %scan3A_4 = arith.constant 5 : i32
    %scan3A_5 = arith.addi %scan3A_3, %scan3A_4 : i32
    %scan3A_6 = arith.constant 1 : i32
    scf.for %scan3A_13 = %scan3A_3 to %scan3A_5 step %scan3A_6  : i32 {
      %mul3A_14 = arith.constant 16 : i32
      %mul3A_15 = arith.muli %scan3A_13, %mul3A_14 : i32
      "tpu.region"() ({
        %run_scoped3A = tpu.sem_alloc : memref<!tpu.dma_semaphore, #tpu.memory_space<semaphore_mem>>
        %dma_start3A_31 = arith.constant 0 : i32
        %dma_start3A_32 = tpu.memref_slice %arg3[%arg1, %mul3A_15, %dma_start3A_31] : memref<16x80x128xi32, #tpu.memory_space<hbm>> -> memref<1x16x128xi32, #tpu.memory_space<hbm>>
        %dma_start3A_33 = tpu.memref_squeeze %dma_start3A_32 : memref<1x16x128xi32, #tpu.memory_space<hbm>> -> memref<16x128xi32, #tpu.memory_space<hbm>>
        %dma_start3A_34 = arith.constant 0 : i32
        %dma_start3A_35 = tpu.memref_slice %arg3[%arg1, %mul3A_15, %dma_start3A_34] : memref<16x80x128xi32, #tpu.memory_space<hbm>> -> memref<1x16x128xi32, #tpu.memory_space<hbm>>
        %dma_start3A_36 = tpu.memref_squeeze %dma_start3A_35 : memref<1x16x128xi32, #tpu.memory_space<hbm>> -> memref<16x128xi32, #tpu.memory_space<hbm>>
        tpu.enqueue_dma source(%dma_start3A_36 : memref<16x128xi32, #tpu.memory_space<hbm>>) target(%arg8 : memref<16x128xi32, #tpu.memory_space<vmem>>) target_semaphore(%run_scoped3A : memref<!tpu.dma_semaphore, #tpu.memory_space<semaphore_mem>>)
        %dma_wait3A = arith.constant 0 : i32
        %dma_wait3A_37 = tpu.memref_slice %arg3[%arg1, %mul3A_15, %dma_wait3A] : memref<16x80x128xi32, #tpu.memory_space<hbm>> -> memref<1x16x128xi32, #tpu.memory_space<hbm>>
        %dma_wait3A_38 = tpu.memref_squeeze %dma_wait3A_37 : memref<1x16x128xi32, #tpu.memory_space<hbm>> -> memref<16x128xi32, #tpu.memory_space<hbm>>
        %dma_wait3A_39 = arith.constant 0 : i32
        %dma_wait3A_40 = tpu.memref_slice %arg3[%arg1, %mul3A_15, %dma_wait3A_39] : memref<16x80x128xi32, #tpu.memory_space<hbm>> -> memref<1x16x128xi32, #tpu.memory_space<hbm>>
        %dma_wait3A_41 = tpu.memref_squeeze %dma_wait3A_40 : memref<1x16x128xi32, #tpu.memory_space<hbm>> -> memref<16x128xi32, #tpu.memory_space<hbm>>
        tpu.wait_dma2 semaphore(%run_scoped3A : memref<!tpu.dma_semaphore, #tpu.memory_space<semaphore_mem>>) src(%dma_wait3A_41 : memref<16x128xi32, #tpu.memory_space<hbm>>) dst(%arg8 : memref<16x128xi32, #tpu.memory_space<vmem>>)
        tpu.yield
      }) : () -> ()
      %mul3A_16 = arith.constant 16 : i32
      %mul3A_17 = arith.muli %scan3A_13, %mul3A_16 : i32
      "tpu.region"() ({
        %run_scoped3A = tpu.sem_alloc : memref<!tpu.dma_semaphore, #tpu.memory_space<semaphore_mem>>
        %dma_start3A_31 = arith.constant 0 : i32
        %dma_start3A_32 = tpu.memref_slice %arg4[%arg0, %arg1, %mul3A_17, %dma_start3A_31] : memref<2x16x80x128xi32, #tpu.memory_space<hbm>> -> memref<1x1x16x128xi32, #tpu.memory_space<hbm>>
        %dma_start3A_33 = tpu.memref_squeeze %dma_start3A_32 : memref<1x1x16x128xi32, #tpu.memory_space<hbm>> -> memref<16x128xi32, #tpu.memory_space<hbm>>
        %dma_start3A_34 = arith.constant 0 : i32
        %dma_start3A_35 = tpu.memref_slice %arg4[%arg0, %arg1, %mul3A_17, %dma_start3A_34] : memref<2x16x80x128xi32, #tpu.memory_space<hbm>> -> memref<1x1x16x128xi32, #tpu.memory_space<hbm>>
        %dma_start3A_36 = tpu.memref_squeeze %dma_start3A_35 : memref<1x1x16x128xi32, #tpu.memory_space<hbm>> -> memref<16x128xi32, #tpu.memory_space<hbm>>
        tpu.enqueue_dma source(%dma_start3A_36 : memref<16x128xi32, #tpu.memory_space<hbm>>) target(%arg9 : memref<16x128xi32, #tpu.memory_space<vmem>>) target_semaphore(%run_scoped3A : memref<!tpu.dma_semaphore, #tpu.memory_space<semaphore_mem>>)
        %dma_wait3A = arith.constant 0 : i32
        %dma_wait3A_37 = tpu.memref_slice %arg4[%arg0, %arg1, %mul3A_17, %dma_wait3A] : memref<2x16x80x128xi32, #tpu.memory_space<hbm>> -> memref<1x1x16x128xi32, #tpu.memory_space<hbm>>
        %dma_wait3A_38 = tpu.memref_squeeze %dma_wait3A_37 : memref<1x1x16x128xi32, #tpu.memory_space<hbm>> -> memref<16x128xi32, #tpu.memory_space<hbm>>
        %dma_wait3A_39 = arith.constant 0 : i32
        %dma_wait3A_40 = tpu.memref_slice %arg4[%arg0, %arg1, %mul3A_17, %dma_wait3A_39] : memref<2x16x80x128xi32, #tpu.memory_space<hbm>> -> memref<1x1x16x128xi32, #tpu.memory_space<hbm>>
        %dma_wait3A_41 = tpu.memref_squeeze %dma_wait3A_40 : memref<1x1x16x128xi32, #tpu.memory_space<hbm>> -> memref<16x128xi32, #tpu.memory_space<hbm>>
        tpu.wait_dma2 semaphore(%run_scoped3A : memref<!tpu.dma_semaphore, #tpu.memory_space<semaphore_mem>>) src(%dma_wait3A_41 : memref<16x128xi32, #tpu.memory_space<hbm>>) dst(%arg9 : memref<16x128xi32, #tpu.memory_space<vmem>>)
        tpu.yield
      }) : () -> ()
      %dma_start3A = arith.constant 0 : i32
      %dma_start3A_18 = arith.constant 0 : i32
      %dma_start3A_19 = tpu.memref_slice %arg8[%dma_start3A, %dma_start3A_18] : memref<16x128xi32, #tpu.memory_space<vmem>> -> memref<1x128xi32, #tpu.memory_space<vmem>>
      %dma_start3A_20 = tpu.memref_squeeze %dma_start3A_19 : memref<1x128xi32, #tpu.memory_space<vmem>> -> memref<128xi32, #tpu.memory_space<vmem>>
      %dma_start3A_21 = arith.constant 0 : i32
      %dma_start3A_22 = arith.constant 0 : i32
      %dma_start3A_23 = arith.constant 0 : i32
      %dma_start3A_24 = tpu.memref_slice %arg2[%dma_start3A_21, %dma_start3A_22, %dma_start3A_23] : memref<10240x2x128xf32, #tpu.memory_space<hbm>> -> memref<10240x2x128xf32, #tpu.memory_space<hbm>>
      tpu.enqueue_indirect_dma source(%dma_start3A_24 : memref<10240x2x128xf32, #tpu.memory_space<hbm>>) target(%arg10 : memref<128x2x128xf32, #tpu.memory_space<vmem>>) offsets(%dma_start3A_20 : memref<128xi32, #tpu.memory_space<vmem>>) semaphore(%arg11 : memref<!tpu.dma_semaphore, #tpu.memory_space<semaphore_mem>>)
      %scan3A_25 = arith.constant 0 : i32
      %scan3A_26 = arith.constant 0 : i32
      %scan3A_27 = arith.constant 16 : i32
      %scan3A_28 = arith.addi %scan3A_26, %scan3A_27 : i32
      %scan3A_29 = arith.constant 1 : i32
      scf.for %scan3A_31 = %scan3A_26 to %scan3A_28 step %scan3A_29  : i32 {
        %mul3A_32 = arith.constant 1 : i32
        %mul3A_33 = arith.muli %scan3A_31, %mul3A_32 : i32
        %add3A = arith.constant 0 : i32
        %add3A_34 = arith.addi %mul3A_33, %add3A : i32
        %dma_wait3A = arith.constant 0 : i32
        %dma_wait3A_35 = tpu.memref_slice %arg8[%add3A_34, %dma_wait3A] : memref<16x128xi32, #tpu.memory_space<vmem>> -> memref<1x128xi32, #tpu.memory_space<vmem>>
        %dma_wait3A_36 = tpu.memref_squeeze %dma_wait3A_35 : memref<1x128xi32, #tpu.memory_space<vmem>> -> memref<128xi32, #tpu.memory_space<vmem>>
        %dma_wait3A_37 = arith.constant 0 : i32
        %dma_wait3A_38 = arith.constant 0 : i32
        %dma_wait3A_39 = arith.constant 0 : i32
        %dma_wait3A_40 = tpu.memref_slice %arg2[%dma_wait3A_37, %dma_wait3A_38, %dma_wait3A_39] : memref<10240x2x128xf32, #tpu.memory_space<hbm>> -> memref<10240x2x128xf32, #tpu.memory_space<hbm>>
        tpu.wait_indirect_dma semaphore(%arg11 : memref<!tpu.dma_semaphore, #tpu.memory_space<semaphore_mem>>) src(%dma_wait3A_40 : memref<10240x2x128xf32, #tpu.memory_space<hbm>>) dst(%arg10 : memref<128x2x128xf32, #tpu.memory_space<vmem>>)
        %mul3A_41 = arith.constant 1 : i32
        %mul3A_42 = arith.muli %scan3A_31, %mul3A_41 : i32
        %add3A_43 = arith.constant 0 : i32
        %add3A_44 = arith.addi %mul3A_42, %add3A_43 : i32
        %add3A_45 = arith.constant 1 : i32
        %add3A_46 = arith.addi %add3A_44, %add3A_45 : i32
        %lt3A = arith.constant 16 : i32
        %lt3A_47 = arith.cmpi slt, %add3A_46, %lt3A : i32
        %convert_element_type3A = arith.extui %lt3A_47 : i1 to i32
        %cond3A = arith.constant 0 : i32
        %cond3A_48 = arith.cmpi ne, %convert_element_type3A, %cond3A : i32
        scf.if %cond3A_48 {
          %dma_start3A_49 = arith.constant 0 : i32
          %dma_start3A_50 = tpu.memref_slice %arg8[%add3A_46, %dma_start3A_49] : memref<16x128xi32, #tpu.memory_space<vmem>> -> memref<1x128xi32, #tpu.memory_space<vmem>>
          %dma_start3A_51 = tpu.memref_squeeze %dma_start3A_50 : memref<1x128xi32, #tpu.memory_space<vmem>> -> memref<128xi32, #tpu.memory_space<vmem>>
          %dma_start3A_52 = arith.constant 0 : i32
          %dma_start3A_53 = arith.constant 0 : i32
          %dma_start3A_54 = arith.constant 0 : i32
          %dma_start3A_55 = tpu.memref_slice %arg2[%dma_start3A_52, %dma_start3A_53, %dma_start3A_54] : memref<10240x2x128xf32, #tpu.memory_space<hbm>> -> memref<10240x2x128xf32, #tpu.memory_space<hbm>>
          tpu.enqueue_indirect_dma source(%dma_start3A_55 : memref<10240x2x128xf32, #tpu.memory_space<hbm>>) target(%arg10 : memref<128x2x128xf32, #tpu.memory_space<vmem>>) offsets(%dma_start3A_51 : memref<128xi32, #tpu.memory_space<vmem>>) semaphore(%arg11 : memref<!tpu.dma_semaphore, #tpu.memory_space<semaphore_mem>>)
        } else {
        }
      }
      %scan3A_30 = arith.constant 16 : i32
    }
    %scan3A_7 = arith.constant 5 : i32
    %barrier3A_8 = arith.constant 0 : index
    tpu.barrier barrier_id(%barrier3A_8)
    %mul3A_9 = arith.constant 320 : i32
    %mul3A_10 = arith.muli %arg1, %mul3A_9 : i32
    %mul3A_11 = arith.constant 320 : i32
    %mul3A_12 = arith.muli %arg1, %mul3A_11 : i32
    "tpu.region"() ({
      %run_scoped3A = tpu.sem_alloc : memref<!tpu.dma_semaphore, #tpu.memory_space<semaphore_mem>>
      %dma_start3A = arith.constant 0 : i32
      %dma_start3A_13 = arith.constant 0 : i32
      %dma_start3A_14 = tpu.memref_slice %arg6[%arg0, %mul3A_12, %dma_start3A, %dma_start3A_13] : memref<2x5120x2x128xf32, #tpu.memory_space<hbm>> -> memref<1x320x2x128xf32, #tpu.memory_space<hbm>>
      %dma_start3A_15 = tpu.memref_squeeze %dma_start3A_14 : memref<1x320x2x128xf32, #tpu.memory_space<hbm>> -> memref<320x2x128xf32, #tpu.memory_space<hbm>>
      %dma_start3A_16 = arith.constant 0 : i32
      %dma_start3A_17 = arith.constant 0 : i32
      %dma_start3A_18 = tpu.memref_slice %arg7[%mul3A_10, %dma_start3A_16, %dma_start3A_17] : memref<5632x2x128xf32, #tpu.memory_space<vmem_shared>> -> memref<320x2x128xf32, #tpu.memory_space<vmem_shared>>
      tpu.enqueue_dma source(%dma_start3A_18 : memref<320x2x128xf32, #tpu.memory_space<vmem_shared>>) target(%dma_start3A_15 : memref<320x2x128xf32, #tpu.memory_space<hbm>>) target_semaphore(%run_scoped3A : memref<!tpu.dma_semaphore, #tpu.memory_space<semaphore_mem>>)
      %dma_wait3A = arith.constant 0 : i32
      %dma_wait3A_19 = arith.constant 0 : i32
      %dma_wait3A_20 = tpu.memref_slice %arg6[%arg0, %mul3A_12, %dma_wait3A, %dma_wait3A_19] : memref<2x5120x2x128xf32, #tpu.memory_space<hbm>> -> memref<1x320x2x128xf32, #tpu.memory_space<hbm>>
      %dma_wait3A_21 = tpu.memref_squeeze %dma_wait3A_20 : memref<1x320x2x128xf32, #tpu.memory_space<hbm>> -> memref<320x2x128xf32, #tpu.memory_space<hbm>>
      %dma_wait3A_22 = arith.constant 0 : i32
      %dma_wait3A_23 = arith.constant 0 : i32
      %dma_wait3A_24 = tpu.memref_slice %arg7[%mul3A_10, %dma_wait3A_22, %dma_wait3A_23] : memref<5632x2x128xf32, #tpu.memory_space<vmem_shared>> -> memref<320x2x128xf32, #tpu.memory_space<vmem_shared>>
      tpu.wait_dma2 semaphore(%run_scoped3A : memref<!tpu.dma_semaphore, #tpu.memory_space<semaphore_mem>>) src(%dma_wait3A_24 : memref<320x2x128xf32, #tpu.memory_space<vmem_shared>>) dst(%dma_wait3A_21 : memref<320x2x128xf32, #tpu.memory_space<hbm>>)
      tpu.yield
    }) : () -> ()
    return
  }
}

#map = affine_map<(d0, d1) -> (0, 0, 0)>
#map1 = affine_map<(d0, d1) -> (0, 0, 0, 0)>
module attributes {stable_mosaic.version = 14 : i64} {
  func.func @_agg_kernel(%arg0: i32, %arg1: i32, %arg2: memref<10240x2x128xf32, #tpu.memory_space<hbm>>, %arg3: memref<16x80x128xi32, #tpu.memory_space<hbm>>, %arg4: memref<2x16x80x128xi32, #tpu.memory_space<hbm>>, %arg5: memref<5632x2x128xf32, #tpu.memory_space<hbm>>, %arg6: memref<2x5120x2x128xf32, #tpu.memory_space<hbm>>, %arg7: memref<5632x2x128xf32, #tpu.memory_space<vmem_shared>>, %arg8: memref<16x128xi32, #tpu.memory_space<vmem>>, %arg9: memref<16x128xi32, #tpu.memory_space<vmem>>, %arg10: memref<128x2x128xf32, #tpu.memory_space<vmem>>, %arg11: memref<!tpu.dma_semaphore, #tpu.memory_space<semaphore_mem>>, %arg12: memref<!tpu.dma_semaphore, #tpu.memory_space<semaphore_mem>>) attributes {dimension_semantics = [#tpu.dimension_semantics<core_parallel>, #tpu.dimension_semantics<subcore_parallel>], iteration_bounds = array<i64: 2, 16>, scalar_prefetch = 0 : i64, scratch_operands = 6 : i64, tpu.core_type = #tpu.core_type<sc_vector_subcore>, window_params = [{transform_indices = #map}, {transform_indices = #map}, {transform_indices = #map1}, {transform_indices = #map}, {transform_indices = #map1}]} {
    %mul3A = arith.constant 352 : i32
    %mul3A_0 = arith.muli %arg1, %mul3A : i32
    %mul3A_1 = arith.constant 352 : i32
    %mul3A_2 = arith.muli %arg1, %mul3A_1 : i32
    "tpu.region"() ({
      %run_scoped3A = tpu.sem_alloc : memref<!tpu.dma_semaphore, #tpu.memory_space<semaphore_mem>>
      %dma_start3A = arith.constant 0 : i32
      %dma_start3A_13 = arith.constant 0 : i32
      %dma_start3A_14 = tpu.memref_slice %arg7[%mul3A_2, %dma_start3A, %dma_start3A_13] : memref<5632x2x128xf32, #tpu.memory_space<vmem_shared>> -> memref<352x2x128xf32, #tpu.memory_space<vmem_shared>>
      %dma_start3A_15 = arith.constant 0 : i32
      %dma_start3A_16 = arith.constant 0 : i32
      %dma_start3A_17 = tpu.memref_slice %arg5[%mul3A_0, %dma_start3A_15, %dma_start3A_16] : memref<5632x2x128xf32, #tpu.memory_space<hbm>> -> memref<352x2x128xf32, #tpu.memory_space<hbm>>
      tpu.enqueue_dma source(%dma_start3A_17 : memref<352x2x128xf32, #tpu.memory_space<hbm>>) target(%dma_start3A_14 : memref<352x2x128xf32, #tpu.memory_space<vmem_shared>>) target_semaphore(%run_scoped3A : memref<!tpu.dma_semaphore, #tpu.memory_space<semaphore_mem>>)
      %dma_wait3A = arith.constant 0 : i32
      %dma_wait3A_18 = arith.constant 0 : i32
      %dma_wait3A_19 = tpu.memref_slice %arg7[%mul3A_2, %dma_wait3A, %dma_wait3A_18] : memref<5632x2x128xf32, #tpu.memory_space<vmem_shared>> -> memref<352x2x128xf32, #tpu.memory_space<vmem_shared>>
      %dma_wait3A_20 = arith.constant 0 : i32
      %dma_wait3A_21 = arith.constant 0 : i32
      %dma_wait3A_22 = tpu.memref_slice %arg5[%mul3A_0, %dma_wait3A_20, %dma_wait3A_21] : memref<5632x2x128xf32, #tpu.memory_space<hbm>> -> memref<352x2x128xf32, #tpu.memory_space<hbm>>
      tpu.wait_dma2 semaphore(%run_scoped3A : memref<!tpu.dma_semaphore, #tpu.memory_space<semaphore_mem>>) src(%dma_wait3A_22 : memref<352x2x128xf32, #tpu.memory_space<hbm>>) dst(%dma_wait3A_19 : memref<352x2x128xf32, #tpu.memory_space<vmem_shared>>)
      tpu.yield
    }) : () -> ()
    %barrier3A = arith.constant 0 : index
    tpu.barrier barrier_id(%barrier3A)
    %scan3A = arith.constant 0 : i32
    %scan3A_3 = arith.constant 0 : i32
    %scan3A_4 = arith.constant 5 : i32
    %scan3A_5 = arith.addi %scan3A_3, %scan3A_4 : i32
    %scan3A_6 = arith.constant 1 : i32
    scf.for %scan3A_13 = %scan3A_3 to %scan3A_5 step %scan3A_6  : i32 {
      %mul3A_14 = arith.constant 16 : i32
      %mul3A_15 = arith.muli %scan3A_13, %mul3A_14 : i32
      "tpu.region"() ({
        %run_scoped3A = tpu.sem_alloc : memref<!tpu.dma_semaphore, #tpu.memory_space<semaphore_mem>>
        %dma_start3A_31 = arith.constant 0 : i32
        %dma_start3A_32 = tpu.memref_slice %arg3[%arg1, %mul3A_15, %dma_start3A_31] : memref<16x80x128xi32, #tpu.memory_space<hbm>> -> memref<1x16x128xi32, #tpu.memory_space<hbm>>
        %dma_start3A_33 = tpu.memref_squeeze %dma_start3A_32 : memref<1x16x128xi32, #tpu.memory_space<hbm>> -> memref<16x128xi32, #tpu.memory_space<hbm>>
        %dma_start3A_34 = arith.constant 0 : i32
        %dma_start3A_35 = tpu.memref_slice %arg3[%arg1, %mul3A_15, %dma_start3A_34] : memref<16x80x128xi32, #tpu.memory_space<hbm>> -> memref<1x16x128xi32, #tpu.memory_space<hbm>>
        %dma_start3A_36 = tpu.memref_squeeze %dma_start3A_35 : memref<1x16x128xi32, #tpu.memory_space<hbm>> -> memref<16x128xi32, #tpu.memory_space<hbm>>
        tpu.enqueue_dma source(%dma_start3A_36 : memref<16x128xi32, #tpu.memory_space<hbm>>) target(%arg8 : memref<16x128xi32, #tpu.memory_space<vmem>>) target_semaphore(%run_scoped3A : memref<!tpu.dma_semaphore, #tpu.memory_space<semaphore_mem>>)
        %dma_wait3A = arith.constant 0 : i32
        %dma_wait3A_37 = tpu.memref_slice %arg3[%arg1, %mul3A_15, %dma_wait3A] : memref<16x80x128xi32, #tpu.memory_space<hbm>> -> memref<1x16x128xi32, #tpu.memory_space<hbm>>
        %dma_wait3A_38 = tpu.memref_squeeze %dma_wait3A_37 : memref<1x16x128xi32, #tpu.memory_space<hbm>> -> memref<16x128xi32, #tpu.memory_space<hbm>>
        %dma_wait3A_39 = arith.constant 0 : i32
        %dma_wait3A_40 = tpu.memref_slice %arg3[%arg1, %mul3A_15, %dma_wait3A_39] : memref<16x80x128xi32, #tpu.memory_space<hbm>> -> memref<1x16x128xi32, #tpu.memory_space<hbm>>
        %dma_wait3A_41 = tpu.memref_squeeze %dma_wait3A_40 : memref<1x16x128xi32, #tpu.memory_space<hbm>> -> memref<16x128xi32, #tpu.memory_space<hbm>>
        tpu.wait_dma2 semaphore(%run_scoped3A : memref<!tpu.dma_semaphore, #tpu.memory_space<semaphore_mem>>) src(%dma_wait3A_41 : memref<16x128xi32, #tpu.memory_space<hbm>>) dst(%arg8 : memref<16x128xi32, #tpu.memory_space<vmem>>)
        tpu.yield
      }) : () -> ()
      %mul3A_16 = arith.constant 16 : i32
      %mul3A_17 = arith.muli %scan3A_13, %mul3A_16 : i32
      "tpu.region"() ({
        %run_scoped3A = tpu.sem_alloc : memref<!tpu.dma_semaphore, #tpu.memory_space<semaphore_mem>>
        %dma_start3A_31 = arith.constant 0 : i32
        %dma_start3A_32 = tpu.memref_slice %arg4[%arg0, %arg1, %mul3A_17, %dma_start3A_31] : memref<2x16x80x128xi32, #tpu.memory_space<hbm>> -> memref<1x1x16x128xi32, #tpu.memory_space<hbm>>
        %dma_start3A_33 = tpu.memref_squeeze %dma_start3A_32 : memref<1x1x16x128xi32, #tpu.memory_space<hbm>> -> memref<16x128xi32, #tpu.memory_space<hbm>>
        %dma_start3A_34 = arith.constant 0 : i32
        %dma_start3A_35 = tpu.memref_slice %arg4[%arg0, %arg1, %mul3A_17, %dma_start3A_34] : memref<2x16x80x128xi32, #tpu.memory_space<hbm>> -> memref<1x1x16x128xi32, #tpu.memory_space<hbm>>
        %dma_start3A_36 = tpu.memref_squeeze %dma_start3A_35 : memref<1x1x16x128xi32, #tpu.memory_space<hbm>> -> memref<16x128xi32, #tpu.memory_space<hbm>>
        tpu.enqueue_dma source(%dma_start3A_36 : memref<16x128xi32, #tpu.memory_space<hbm>>) target(%arg9 : memref<16x128xi32, #tpu.memory_space<vmem>>) target_semaphore(%run_scoped3A : memref<!tpu.dma_semaphore, #tpu.memory_space<semaphore_mem>>)
        %dma_wait3A = arith.constant 0 : i32
        %dma_wait3A_37 = tpu.memref_slice %arg4[%arg0, %arg1, %mul3A_17, %dma_wait3A] : memref<2x16x80x128xi32, #tpu.memory_space<hbm>> -> memref<1x1x16x128xi32, #tpu.memory_space<hbm>>
        %dma_wait3A_38 = tpu.memref_squeeze %dma_wait3A_37 : memref<1x1x16x128xi32, #tpu.memory_space<hbm>> -> memref<16x128xi32, #tpu.memory_space<hbm>>
        %dma_wait3A_39 = arith.constant 0 : i32
        %dma_wait3A_40 = tpu.memref_slice %arg4[%arg0, %arg1, %mul3A_17, %dma_wait3A_39] : memref<2x16x80x128xi32, #tpu.memory_space<hbm>> -> memref<1x1x16x128xi32, #tpu.memory_space<hbm>>
        %dma_wait3A_41 = tpu.memref_squeeze %dma_wait3A_40 : memref<1x1x16x128xi32, #tpu.memory_space<hbm>> -> memref<16x128xi32, #tpu.memory_space<hbm>>
        tpu.wait_dma2 semaphore(%run_scoped3A : memref<!tpu.dma_semaphore, #tpu.memory_space<semaphore_mem>>) src(%dma_wait3A_41 : memref<16x128xi32, #tpu.memory_space<hbm>>) dst(%arg9 : memref<16x128xi32, #tpu.memory_space<vmem>>)
        tpu.yield
      }) : () -> ()
      %dma_start3A = arith.constant 0 : i32
      %dma_start3A_18 = arith.constant 0 : i32
      %dma_start3A_19 = tpu.memref_slice %arg8[%dma_start3A, %dma_start3A_18] : memref<16x128xi32, #tpu.memory_space<vmem>> -> memref<1x128xi32, #tpu.memory_space<vmem>>
      %dma_start3A_20 = tpu.memref_squeeze %dma_start3A_19 : memref<1x128xi32, #tpu.memory_space<vmem>> -> memref<128xi32, #tpu.memory_space<vmem>>
      %dma_start3A_21 = arith.constant 0 : i32
      %dma_start3A_22 = arith.constant 0 : i32
      %dma_start3A_23 = arith.constant 0 : i32
      %dma_start3A_24 = tpu.memref_slice %arg2[%dma_start3A_21, %dma_start3A_22, %dma_start3A_23] : memref<10240x2x128xf32, #tpu.memory_space<hbm>> -> memref<10240x2x128xf32, #tpu.memory_space<hbm>>
      tpu.enqueue_indirect_dma source(%dma_start3A_24 : memref<10240x2x128xf32, #tpu.memory_space<hbm>>) target(%arg10 : memref<128x2x128xf32, #tpu.memory_space<vmem>>) offsets(%dma_start3A_20 : memref<128xi32, #tpu.memory_space<vmem>>) semaphore(%arg11 : memref<!tpu.dma_semaphore, #tpu.memory_space<semaphore_mem>>)
      %scan3A_25 = arith.constant 0 : i32
      %scan3A_26 = arith.constant 0 : i32
      %scan3A_27 = arith.constant 16 : i32
      %scan3A_28 = arith.addi %scan3A_26, %scan3A_27 : i32
      %scan3A_29 = arith.constant 1 : i32
      scf.for %scan3A_31 = %scan3A_26 to %scan3A_28 step %scan3A_29  : i32 {
        %mul3A_32 = arith.constant 1 : i32
        %mul3A_33 = arith.muli %scan3A_31, %mul3A_32 : i32
        %add3A = arith.constant 0 : i32
        %add3A_34 = arith.addi %mul3A_33, %add3A : i32
        %dma_wait3A = arith.constant 0 : i32
        %dma_wait3A_35 = tpu.memref_slice %arg8[%add3A_34, %dma_wait3A] : memref<16x128xi32, #tpu.memory_space<vmem>> -> memref<1x128xi32, #tpu.memory_space<vmem>>
        %dma_wait3A_36 = tpu.memref_squeeze %dma_wait3A_35 : memref<1x128xi32, #tpu.memory_space<vmem>> -> memref<128xi32, #tpu.memory_space<vmem>>
        %dma_wait3A_37 = arith.constant 0 : i32
        %dma_wait3A_38 = arith.constant 0 : i32
        %dma_wait3A_39 = arith.constant 0 : i32
        %dma_wait3A_40 = tpu.memref_slice %arg2[%dma_wait3A_37, %dma_wait3A_38, %dma_wait3A_39] : memref<10240x2x128xf32, #tpu.memory_space<hbm>> -> memref<10240x2x128xf32, #tpu.memory_space<hbm>>
        tpu.wait_indirect_dma semaphore(%arg11 : memref<!tpu.dma_semaphore, #tpu.memory_space<semaphore_mem>>) src(%dma_wait3A_40 : memref<10240x2x128xf32, #tpu.memory_space<hbm>>) dst(%arg10 : memref<128x2x128xf32, #tpu.memory_space<vmem>>)
        %mul3A_41 = arith.constant 1 : i32
        %mul3A_42 = arith.muli %scan3A_31, %mul3A_41 : i32
        %add3A_43 = arith.constant 0 : i32
        %add3A_44 = arith.addi %mul3A_42, %add3A_43 : i32
        %add3A_45 = arith.constant 1 : i32
        %add3A_46 = arith.addi %add3A_44, %add3A_45 : i32
        %lt3A = arith.constant 16 : i32
        %lt3A_47 = arith.cmpi slt, %add3A_46, %lt3A : i32
        %convert_element_type3A = arith.extui %lt3A_47 : i1 to i32
        %cond3A = arith.constant 0 : i32
        %cond3A_48 = arith.cmpi ne, %convert_element_type3A, %cond3A : i32
        scf.if %cond3A_48 {
          %dma_start3A_49 = arith.constant 0 : i32
          %dma_start3A_50 = tpu.memref_slice %arg8[%add3A_46, %dma_start3A_49] : memref<16x128xi32, #tpu.memory_space<vmem>> -> memref<1x128xi32, #tpu.memory_space<vmem>>
          %dma_start3A_51 = tpu.memref_squeeze %dma_start3A_50 : memref<1x128xi32, #tpu.memory_space<vmem>> -> memref<128xi32, #tpu.memory_space<vmem>>
          %dma_start3A_52 = arith.constant 0 : i32
          %dma_start3A_53 = arith.constant 0 : i32
          %dma_start3A_54 = arith.constant 0 : i32
          %dma_start3A_55 = tpu.memref_slice %arg2[%dma_start3A_52, %dma_start3A_53, %dma_start3A_54] : memref<10240x2x128xf32, #tpu.memory_space<hbm>> -> memref<10240x2x128xf32, #tpu.memory_space<hbm>>
          tpu.enqueue_indirect_dma source(%dma_start3A_55 : memref<10240x2x128xf32, #tpu.memory_space<hbm>>) target(%arg10 : memref<128x2x128xf32, #tpu.memory_space<vmem>>) offsets(%dma_start3A_51 : memref<128xi32, #tpu.memory_space<vmem>>) semaphore(%arg11 : memref<!tpu.dma_semaphore, #tpu.memory_space<semaphore_mem>>)
        } else {
        }
      }
      %scan3A_30 = arith.constant 16 : i32
    }
    %scan3A_7 = arith.constant 5 : i32
    %barrier3A_8 = arith.constant 0 : index
    tpu.barrier barrier_id(%barrier3A_8)
    %mul3A_9 = arith.constant 320 : i32
    %mul3A_10 = arith.muli %arg1, %mul3A_9 : i32
    %mul3A_11 = arith.constant 320 : i32
    %mul3A_12 = arith.muli %arg1, %mul3A_11 : i32
    "tpu.region"() ({
      %run_scoped3A = tpu.sem_alloc : memref<!tpu.dma_semaphore, #tpu.memory_space<semaphore_mem>>
      %dma_start3A = arith.constant 0 : i32
      %dma_start3A_13 = arith.constant 0 : i32
      %dma_start3A_14 = tpu.memref_slice %arg6[%arg0, %mul3A_12, %dma_start3A, %dma_start3A_13] : memref<2x5120x2x128xf32, #tpu.memory_space<hbm>> -> memref<1x320x2x128xf32, #tpu.memory_space<hbm>>
      %dma_start3A_15 = tpu.memref_squeeze %dma_start3A_14 : memref<1x320x2x128xf32, #tpu.memory_space<hbm>> -> memref<320x2x128xf32, #tpu.memory_space<hbm>>
      %dma_start3A_16 = arith.constant 0 : i32
      %dma_start3A_17 = arith.constant 0 : i32
      %dma_start3A_18 = tpu.memref_slice %arg7[%mul3A_10, %dma_start3A_16, %dma_start3A_17] : memref<5632x2x128xf32, #tpu.memory_space<vmem_shared>> -> memref<320x2x128xf32, #tpu.memory_space<vmem_shared>>
      tpu.enqueue_dma source(%dma_start3A_18 : memref<320x2x128xf32, #tpu.memory_space<vmem_shared>>) target(%dma_start3A_15 : memref<320x2x128xf32, #tpu.memory_space<hbm>>) target_semaphore(%run_scoped3A : memref<!tpu.dma_semaphore, #tpu.memory_space<semaphore_mem>>)
      %dma_wait3A = arith.constant 0 : i32
      %dma_wait3A_19 = arith.constant 0 : i32
      %dma_wait3A_20 = tpu.memref_slice %arg6[%arg0, %mul3A_12, %dma_wait3A, %dma_wait3A_19] : memref<2x5120x2x128xf32, #tpu.memory_space<hbm>> -> memref<1x320x2x128xf32, #tpu.memory_space<hbm>>
      %dma_wait3A_21 = tpu.memref_squeeze %dma_wait3A_20 : memref<1x320x2x128xf32, #tpu.memory_space<hbm>> -> memref<320x2x128xf32, #tpu.memory_space<hbm>>
      %dma_wait3A_22 = arith.constant 0 : i32
      %dma_wait3A_23 = arith.constant 0 : i32
      %dma_wait3A_24 = tpu.memref_slice %arg7[%mul3A_10, %dma_wait3A_22, %dma_wait3A_23] : memref<5632x2x128xf32, #tpu.memory_space<vmem_shared>> -> memref<320x2x128xf32, #tpu.memory_space<vmem_shared>>
      tpu.wait_dma2 semaphore(%run_scoped3A : memref<!tpu.dma_semaphore, #tpu.memory_space<semaphore_mem>>) src(%dma_wait3A_24 : memref<320x2x128xf32, #tpu.memory_space<vmem_shared>>) dst(%dma_wait3A_21 : memref<320x2x128xf32, #tpu.memory_space<hbm>>)
      tpu.yield
    }) : () -> ()
    return
  }
}

#map = affine_map<(d0, d1) -> (0, 0)>
#map1 = affine_map<(d0, d1) -> (0)>
#map2 = affine_map<(d0, d1) -> (0, 0, 0)>
module attributes {stable_mosaic.version = 14 : i64} {
  func.func @_deg_kernel(%arg0: i32, %arg1: i32, %arg2: memref<2x163840xi32, #tpu.memory_space<hbm>>, %arg3: memref<80x128xf32, #tpu.memory_space<hbm>>, %arg4: memref<80xi32, #tpu.memory_space<hbm>>, %arg5: memref<2x80x128xf32, #tpu.memory_space<hbm>>, %arg6: memref<80x128xf32, #tpu.memory_space<vmem_shared>>, %arg7: memref<80x128xf32, #tpu.memory_space<vmem>>, %arg8: memref<10240xi32, #tpu.memory_space<vmem>>, %arg9: memref<80xi32, #tpu.memory_space<vmem>>) attributes {dimension_semantics = [#tpu.dimension_semantics<core_parallel>, #tpu.dimension_semantics<subcore_parallel>], iteration_bounds = array<i64: 2, 16>, scalar_prefetch = 0 : i64, scratch_operands = 4 : i64, tpu.core_type = #tpu.core_type<sc_vector_subcore>, window_params = [{transform_indices = #map}, {transform_indices = #map}, {transform_indices = #map1}, {transform_indices = #map2}]} {
    "tpu.region"() ({
      %run_scoped3A = tpu.sem_alloc : memref<!tpu.dma_semaphore, #tpu.memory_space<semaphore_mem>>
      tpu.enqueue_dma source(%arg3 : memref<80x128xf32, #tpu.memory_space<hbm>>) target(%arg7 : memref<80x128xf32, #tpu.memory_space<vmem>>) target_semaphore(%run_scoped3A : memref<!tpu.dma_semaphore, #tpu.memory_space<semaphore_mem>>)
      tpu.wait_dma2 semaphore(%run_scoped3A : memref<!tpu.dma_semaphore, #tpu.memory_space<semaphore_mem>>) src(%arg3 : memref<80x128xf32, #tpu.memory_space<hbm>>) dst(%arg7 : memref<80x128xf32, #tpu.memory_space<vmem>>)
      tpu.yield
    }) : () -> ()
    %eq3A = arith.constant 0 : i32
    %eq3A_0 = arith.cmpi eq, %arg1, %eq3A : i32
    %convert_element_type3A = arith.extui %eq3A_0 : i1 to i32
    %cond3A = arith.constant 0 : i32
    %cond3A_1 = arith.cmpi ne, %convert_element_type3A, %cond3A : i32
    scf.if %cond3A_1 {
      "tpu.region"() ({
        %run_scoped3A = tpu.sem_alloc : memref<!tpu.dma_semaphore, #tpu.memory_space<semaphore_mem>>
        tpu.enqueue_dma source(%arg3 : memref<80x128xf32, #tpu.memory_space<hbm>>) target(%arg6 : memref<80x128xf32, #tpu.memory_space<vmem_shared>>) target_semaphore(%run_scoped3A : memref<!tpu.dma_semaphore, #tpu.memory_space<semaphore_mem>>)
        tpu.wait_dma2 semaphore(%run_scoped3A : memref<!tpu.dma_semaphore, #tpu.memory_space<semaphore_mem>>) src(%arg3 : memref<80x128xf32, #tpu.memory_space<hbm>>) dst(%arg6 : memref<80x128xf32, #tpu.memory_space<vmem_shared>>)
        tpu.yield
      }) : () -> ()
    } else {
    }
    %mul3A = arith.constant 10240 : i32
    %mul3A_2 = arith.muli %arg1, %mul3A : i32
    "tpu.region"() ({
      %run_scoped3A = tpu.sem_alloc : memref<!tpu.dma_semaphore, #tpu.memory_space<semaphore_mem>>
      %dma_start3A = tpu.memref_slice %arg2[%arg0, %mul3A_2] : memref<2x163840xi32, #tpu.memory_space<hbm>> -> memref<1x10240xi32, #tpu.memory_space<hbm>>
      %dma_start3A_15 = tpu.memref_squeeze %dma_start3A : memref<1x10240xi32, #tpu.memory_space<hbm>> -> memref<10240xi32, #tpu.memory_space<hbm>>
      %dma_start3A_16 = tpu.memref_slice %arg2[%arg0, %mul3A_2] : memref<2x163840xi32, #tpu.memory_space<hbm>> -> memref<1x10240xi32, #tpu.memory_space<hbm>>
      %dma_start3A_17 = tpu.memref_squeeze %dma_start3A_16 : memref<1x10240xi32, #tpu.memory_space<hbm>> -> memref<10240xi32, #tpu.memory_space<hbm>>
      tpu.enqueue_dma source(%dma_start3A_17 : memref<10240xi32, #tpu.memory_space<hbm>>) target(%arg8 : memref<10240xi32, #tpu.memory_space<vmem>>) target_semaphore(%run_scoped3A : memref<!tpu.dma_semaphore, #tpu.memory_space<semaphore_mem>>)
      %dma_wait3A = tpu.memref_slice %arg2[%arg0, %mul3A_2] : memref<2x163840xi32, #tpu.memory_space<hbm>> -> memref<1x10240xi32, #tpu.memory_space<hbm>>
      %dma_wait3A_18 = tpu.memref_squeeze %dma_wait3A : memref<1x10240xi32, #tpu.memory_space<hbm>> -> memref<10240xi32, #tpu.memory_space<hbm>>
      %dma_wait3A_19 = tpu.memref_slice %arg2[%arg0, %mul3A_2] : memref<2x163840xi32, #tpu.memory_space<hbm>> -> memref<1x10240xi32, #tpu.memory_space<hbm>>
      %dma_wait3A_20 = tpu.memref_squeeze %dma_wait3A_19 : memref<1x10240xi32, #tpu.memory_space<hbm>> -> memref<10240xi32, #tpu.memory_space<hbm>>
      tpu.wait_dma2 semaphore(%run_scoped3A : memref<!tpu.dma_semaphore, #tpu.memory_space<semaphore_mem>>) src(%dma_wait3A_20 : memref<10240xi32, #tpu.memory_space<hbm>>) dst(%arg8 : memref<10240xi32, #tpu.memory_space<vmem>>)
      tpu.yield
    }) : () -> ()
    "tpu.region"() ({
      %run_scoped3A = tpu.sem_alloc : memref<!tpu.dma_semaphore, #tpu.memory_space<semaphore_mem>>
      tpu.enqueue_dma source(%arg4 : memref<80xi32, #tpu.memory_space<hbm>>) target(%arg9 : memref<80xi32, #tpu.memory_space<vmem>>) target_semaphore(%run_scoped3A : memref<!tpu.dma_semaphore, #tpu.memory_space<semaphore_mem>>)
      tpu.wait_dma2 semaphore(%run_scoped3A : memref<!tpu.dma_semaphore, #tpu.memory_space<semaphore_mem>>) src(%arg4 : memref<80xi32, #tpu.memory_space<hbm>>) dst(%arg9 : memref<80xi32, #tpu.memory_space<vmem>>)
      tpu.yield
    }) : () -> ()
    %broadcast_in_dim3A = arith.constant 1.000000e+00 : f32
    %broadcast_in_dim3A_3 = vector.broadcast %broadcast_in_dim3A : f32 to vector<16xf32>
    %scan3A = arith.constant 0 : i32
    %scan3A_4 = arith.constant 0 : i32
    %scan3A_5 = arith.constant 640 : i32
    %scan3A_6 = arith.addi %scan3A_4, %scan3A_5 : i32
    %scan3A_7 = arith.constant 1 : i32
    scf.for %scan3A_15 = %scan3A_4 to %scan3A_6 step %scan3A_7  : i32 {
      %mul3A_16 = arith.constant 16 : i32
      %mul3A_17 = arith.muli %scan3A_15, %mul3A_16 : i32
      %get3A = arith.index_cast %mul3A_17 : i32 to index
      %get3A_18 = tpu.vector_load %arg8[%get3A] {strides = array<i32>} : memref<10240xi32, #tpu.memory_space<vmem>>, vector<16xi32>,
      %shift_right_logical3A = arith.constant 7 : i32
      %shift_right_logical3A_19 = vector.broadcast %shift_right_logical3A : i32 to vector<16xi32>
      %shift_right_logical3A_20 = arith.shrui %get3A_18, %shift_right_logical3A_19 : vector<16xi32>
      %and3A = arith.constant 127 : i32
      %and3A_21 = vector.broadcast %and3A : i32 to vector<16xi32>
      %and3A_22 = arith.andi %get3A_18, %and3A_21 : vector<16xi32>
      tpu.vector_store_idx %arg7[%shift_right_logical3A_20, %and3A_22], %broadcast_in_dim3A_3 {add = true} : memref<80x128xf32, #tpu.memory_space<vmem>>[vector<16xi32>, vector<16xi32>], vector<16xf32>,
    }
    %scan3A_8 = arith.constant 640 : i32
    %barrier3A = arith.constant 0 : index
    tpu.barrier barrier_id(%barrier3A)
    "tpu.region"() ({
      %run_scoped3A = tpu.sem_alloc : memref<!tpu.dma_semaphore, #tpu.memory_space<semaphore_mem>>
      %dma_start3A = arith.constant 0 : i32
      %dma_start3A_15 = arith.constant 0 : i32
      %dma_start3A_16 = tpu.memref_slice %arg6[%dma_start3A, %dma_start3A_15] : memref<80x128xf32, #tpu.memory_space<vmem_shared>> -> memref<80x128xf32, #tpu.memory_space<vmem_shared>>
      tpu.enqueue_indirect_dma source(%arg7 : memref<80x128xf32, #tpu.memory_space<vmem>>) target(%dma_start3A_16 : memref<80x128xf32, #tpu.memory_space<vmem_shared>>) offsets(%arg9 : memref<80xi32, #tpu.memory_space<vmem>>) semaphore(%run_scoped3A : memref<!tpu.dma_semaphore, #tpu.memory_space<semaphore_mem>>) {add = true}
      %dma_wait3A = arith.constant 0 : i32
      %dma_wait3A_17 = arith.constant 0 : i32
      %dma_wait3A_18 = tpu.memref_slice %arg6[%dma_wait3A, %dma_wait3A_17] : memref<80x128xf32, #tpu.memory_space<vmem_shared>> -> memref<80x128xf32, #tpu.memory_space<vmem_shared>>
      tpu.wait_indirect_dma semaphore(%run_scoped3A : memref<!tpu.dma_semaphore, #tpu.memory_space<semaphore_mem>>) src(%arg7 : memref<80x128xf32, #tpu.memory_space<vmem>>) dst(%dma_wait3A_18 : memref<80x128xf32, #tpu.memory_space<vmem_shared>>)
      tpu.yield
    }) : () -> ()
    %barrier3A_9 = arith.constant 0 : index
    tpu.barrier barrier_id(%barrier3A_9)
    %eq3A_10 = arith.constant 0 : i32
    %eq3A_11 = arith.cmpi eq, %arg1, %eq3A_10 : i32
    %convert_element_type3A_12 = arith.extui %eq3A_11 : i1 to i32
    %cond3A_13 = arith.constant 0 : i32
    %cond3A_14 = arith.cmpi ne, %convert_element_type3A_12, %cond3A_13 : i32
    scf.if %cond3A_14 {
      "tpu.region"() ({
        %run_scoped3A = tpu.sem_alloc : memref<!tpu.dma_semaphore, #tpu.memory_space<semaphore_mem>>
        %dma_start3A = arith.constant 0 : i32
        %dma_start3A_15 = arith.constant 0 : i32
        %dma_start3A_16 = tpu.memref_slice %arg5[%arg0, %dma_start3A, %dma_start3A_15] : memref<2x80x128xf32, #tpu.memory_space<hbm>> -> memref<1x80x128xf32, #tpu.memory_space<hbm>>
        %dma_start3A_17 = tpu.memref_squeeze %dma_start3A_16 : memref<1x80x128xf32, #tpu.memory_space<hbm>> -> memref<80x128xf32, #tpu.memory_space<hbm>>
        tpu.enqueue_dma source(%arg6 : memref<80x128xf32, #tpu.memory_space<vmem_shared>>) target(%dma_start3A_17 : memref<80x128xf32, #tpu.memory_space<hbm>>) target_semaphore(%run_scoped3A : memref<!tpu.dma_semaphore, #tpu.memory_space<semaphore_mem>>)
        %dma_wait3A = arith.constant 0 : i32
        %dma_wait3A_18 = arith.constant 0 : i32
        %dma_wait3A_19 = tpu.memref_slice %arg5[%arg0, %dma_wait3A, %dma_wait3A_18] : memref<2x80x128xf32, #tpu.memory_space<hbm>> -> memref<1x80x128xf32, #tpu.memory_space<hbm>>
        %dma_wait3A_20 = tpu.memref_squeeze %dma_wait3A_19 : memref<1x80x128xf32, #tpu.memory_space<hbm>> -> memref<80x128xf32, #tpu.memory_space<hbm>>
        tpu.wait_dma2 semaphore(%run_scoped3A : memref<!tpu.dma_semaphore, #tpu.memory_space<semaphore_mem>>) src(%arg6 : memref<80x128xf32, #tpu.memory_space<vmem_shared>>) dst(%dma_wait3A_20 : memref<80x128xf32, #tpu.memory_space<hbm>>)
        tpu.yield
      }) : () -> ()
    } else {
    }
    return
  }
}

module attributes {stable_mosaic.version = 14 : i64} {
  func.func @_mm_first_body(%arg0: i32, %arg1: memref<1024x768xf32, #tpu.memory_space<vmem>>, %arg2: memref<768x256xf32, #tpu.memory_space<vmem>>, %arg3: memref<1024x1xf32, #tpu.memory_space<vmem>>, %arg4: memref<1024x256xf32, #tpu.memory_space<vmem>>) attributes {dimension_semantics = [#tpu.dimension_semantics<arbitrary>], iteration_bounds = array<i64: 10>, scalar_prefetch = 0 : i64, scratch_operands = 0 : i64, tpu.core_type = #tpu.core_type<tc>, window_params = [{transform_indices = @transform_0, window_bounds = array<i64: 1024, 768>}, {pipeline_mode = #tpu.pipeline_mode<synchronous>, transform_indices = @transform_1, window_bounds = array<i64: 768, 256>}, {transform_indices = @transform_2, window_bounds = array<i64: 1024, 1>}, {transform_indices = @transform_3, window_bounds = array<i64: 1024, 256>}]} {
    %get3A = arith.constant 0 : index
    %get3A_0 = arith.constant 0 : index
    %get3A_1 = vector.load %arg1[%get3A, %get3A_0] : memref<1024x768xf32, #tpu.memory_space<vmem>>, vector<1024x768xf32>
    %get3A_2 = arith.constant 0 : index
    %get3A_3 = arith.constant 0 : index
    %get3A_4 = vector.load %arg2[%get3A_2, %get3A_3] : memref<768x256xf32, #tpu.memory_space<vmem>>, vector<768x256xf32>
    %dot_general3A = arith.constant dense<0.000000e+00> : vector<1024x256xf32>
    %dot_general3A_5 = tpu.matmul %get3A_1, %get3A_4, %dot_general3A {dimension_numbers = #tpu.dot_dimension_numbers<[1], [0], [0], [1], [0, 0, 1, 1], [], []>, transpose_lhs_hint = false} : vector<1024x768xf32>, vector<768x256xf32>, vector<1024x256xf32> -> vector<1024x256xf32>
    %get3A_6 = arith.constant 0 : index
    %get3A_7 = arith.constant 0 : index
    %get3A_8 = vector.load %arg3[%get3A_6, %get3A_7] : memref<1024x1xf32, #tpu.memory_space<vmem>>, vector<1024x1xf32>
    %max3A = arith.constant 1.000000e+00 : f32
    %max3A_9 = vector.broadcast %max3A : f32 to vector<1024x1xf32>
    %max3A_10 = arith.maximumf %get3A_8, %max3A_9 : vector<1024x1xf32>
    %rsqrt3A = math.rsqrt %max3A_10 : vector<1024x1xf32>
    %mul3A = vector.broadcast %rsqrt3A : vector<1024x1xf32> to vector<1024x256xf32>
    %mul3A_11 = arith.mulf %dot_general3A_5, %mul3A : vector<1024x256xf32>
    %swap3A = arith.constant 0 : index
    %swap3A_12 = arith.constant 0 : index
    %swap3A_13 = vector.load %arg4[%swap3A, %swap3A_12] : memref<1024x256xf32, #tpu.memory_space<vmem>>, vector<1024x256xf32>
    tpu.vector_store %arg4[%swap3A, %swap3A_12], %mul3A_11 {strides = array<i32>} : memref<1024x256xf32, #tpu.memory_space<vmem>>, vector<1024x256xf32>,
    return
  }
  func.func @transform_0(%arg0: i32) -> (i32, i32) {
    %c0_i32 = arith.constant 0 : i32
    %c0_i32_0 = arith.constant 0 : i32
    return %arg0, %c0_i32 : i32, i32
  }
  func.func @transform_1(%arg0: i32) -> (i32, i32) {
    %c0_i32 = arith.constant 0 : i32
    %c0_i32_0 = arith.constant 0 : i32
    %c0_i32_1 = arith.constant 0 : i32
    return %c0_i32, %c0_i32_0 : i32, i32
  }
  func.func @transform_2(%arg0: i32) -> (i32, i32) {
    %c0_i32 = arith.constant 0 : i32
    %c0_i32_0 = arith.constant 0 : i32
    return %arg0, %c0_i32 : i32, i32
  }
  func.func @transform_3(%arg0: i32) -> (i32, i32) {
    %c0_i32 = arith.constant 0 : i32
    %c0_i32_0 = arith.constant 0 : i32
    return %arg0, %c0_i32 : i32, i32
  }
}

module attributes {stable_mosaic.version = 14 : i64} {
  func.func @_mm_mid_body(%arg0: i32, %arg1: memref<1024x256xf32, #tpu.memory_space<vmem>>, %arg2: memref<1024x1xf32, #tpu.memory_space<vmem>>, %arg3: memref<1x256xf32, #tpu.memory_space<vmem>>, %arg4: memref<256x256xf32, #tpu.memory_space<vmem>>, %arg5: memref<1024x1xf32, #tpu.memory_space<vmem>>, %arg6: memref<1024x256xf32, #tpu.memory_space<vmem>>) attributes {dimension_semantics = [#tpu.dimension_semantics<arbitrary>], iteration_bounds = array<i64: 10>, scalar_prefetch = 0 : i64, scratch_operands = 0 : i64, tpu.core_type = #tpu.core_type<tc>, window_params = [{transform_indices = @transform_0, window_bounds = array<i64: 1024, 256>}, {transform_indices = @transform_1, window_bounds = array<i64: 1024, 1>}, {pipeline_mode = #tpu.pipeline_mode<synchronous>, transform_indices = @transform_2, window_bounds = array<i64: 1, 256>}, {pipeline_mode = #tpu.pipeline_mode<synchronous>, transform_indices = @transform_3, window_bounds = array<i64: 256, 256>}, {transform_indices = @transform_4, window_bounds = array<i64: 1024, 1>}, {transform_indices = @transform_5, window_bounds = array<i64: 1024, 256>}]} {
    %get3A = arith.constant 0 : index
    %get3A_0 = arith.constant 0 : index
    %get3A_1 = vector.load %arg2[%get3A, %get3A_0] : memref<1024x1xf32, #tpu.memory_space<vmem>>, vector<1024x1xf32>
    %max3A = arith.constant 1.000000e+00 : f32
    %max3A_2 = vector.broadcast %max3A : f32 to vector<1024x1xf32>
    %max3A_3 = arith.maximumf %get3A_1, %max3A_2 : vector<1024x1xf32>
    %rsqrt3A = math.rsqrt %max3A_3 : vector<1024x1xf32>
    %get3A_4 = arith.constant 0 : index
    %get3A_5 = arith.constant 0 : index
    %get3A_6 = vector.load %arg1[%get3A_4, %get3A_5] : memref<1024x256xf32, #tpu.memory_space<vmem>>, vector<1024x256xf32>
    %mul3A = vector.broadcast %rsqrt3A : vector<1024x1xf32> to vector<1024x256xf32>
    %mul3A_7 = arith.mulf %get3A_6, %mul3A : vector<1024x256xf32>
    %get3A_8 = arith.constant 0 : index
    %get3A_9 = arith.constant 0 : index
    %get3A_10 = vector.load %arg3[%get3A_8, %get3A_9] : memref<1x256xf32, #tpu.memory_space<vmem>>, vector<1x256xf32>
    %add3A = vector.broadcast %get3A_10 : vector<1x256xf32> to vector<1024x256xf32>
    %add3A_11 = arith.addf %mul3A_7, %add3A : vector<1024x256xf32>
    %max3A_12 = arith.constant 0.000000e+00 : f32
    %max3A_13 = vector.broadcast %max3A_12 : f32 to vector<1024x256xf32>
    %max3A_14 = arith.maximumf %add3A_11, %max3A_13 : vector<1024x256xf32>
    %get3A_15 = arith.constant 0 : index
    %get3A_16 = arith.constant 0 : index
    %get3A_17 = vector.load %arg4[%get3A_15, %get3A_16] : memref<256x256xf32, #tpu.memory_space<vmem>>, vector<256x256xf32>
    %dot_general3A = arith.constant dense<0.000000e+00> : vector<1024x256xf32>
    %dot_general3A_18 = tpu.matmul %max3A_14, %get3A_17, %dot_general3A {dimension_numbers = #tpu.dot_dimension_numbers<[1], [0], [0], [1], [0, 0, 1, 1], [], []>, transpose_lhs_hint = false} : vector<1024x256xf32>, vector<256x256xf32>, vector<1024x256xf32> -> vector<1024x256xf32>
    %get3A_19 = arith.constant 0 : index
    %get3A_20 = arith.constant 0 : index
    %get3A_21 = vector.load %arg5[%get3A_19, %get3A_20] : memref<1024x1xf32, #tpu.memory_space<vmem>>, vector<1024x1xf32>
    %max3A_22 = arith.constant 1.000000e+00 : f32
    %max3A_23 = vector.broadcast %max3A_22 : f32 to vector<1024x1xf32>
    %max3A_24 = arith.maximumf %get3A_21, %max3A_23 : vector<1024x1xf32>
    %rsqrt3A_25 = math.rsqrt %max3A_24 : vector<1024x1xf32>
    %mul3A_26 = vector.broadcast %rsqrt3A_25 : vector<1024x1xf32> to vector<1024x256xf32>
    %mul3A_27 = arith.mulf %dot_general3A_18, %mul3A_26 : vector<1024x256xf32>
    %swap3A = arith.constant 0 : index
    %swap3A_28 = arith.constant 0 : index
    %swap3A_29 = vector.load %arg6[%swap3A, %swap3A_28] : memref<1024x256xf32, #tpu.memory_space<vmem>>, vector<1024x256xf32>
    tpu.vector_store %arg6[%swap3A, %swap3A_28], %mul3A_27 {strides = array<i32>} : memref<1024x256xf32, #tpu.memory_space<vmem>>, vector<1024x256xf32>,
    return
  }
  func.func @transform_0(%arg0: i32) -> (i32, i32) {
    %c0_i32 = arith.constant 0 : i32
    %c0_i32_0 = arith.constant 0 : i32
    return %arg0, %c0_i32 : i32, i32
  }
  func.func @transform_1(%arg0: i32) -> (i32, i32) {
    %c0_i32 = arith.constant 0 : i32
    %c0_i32_0 = arith.constant 0 : i32
    return %arg0, %c0_i32 : i32, i32
  }
  func.func @transform_2(%arg0: i32) -> (i32, i32) {
    %c0_i32 = arith.constant 0 : i32
    %c0_i32_0 = arith.constant 0 : i32
    %c0_i32_1 = arith.constant 0 : i32
    return %c0_i32, %c0_i32_0 : i32, i32
  }
  func.func @transform_3(%arg0: i32) -> (i32, i32) {
    %c0_i32 = arith.constant 0 : i32
    %c0_i32_0 = arith.constant 0 : i32
    %c0_i32_1 = arith.constant 0 : i32
    return %c0_i32, %c0_i32_0 : i32, i32
  }
  func.func @transform_4(%arg0: i32) -> (i32, i32) {
    %c0_i32 = arith.constant 0 : i32
    %c0_i32_0 = arith.constant 0 : i32
    return %arg0, %c0_i32 : i32, i32
  }
  func.func @transform_5(%arg0: i32) -> (i32, i32) {
    %c0_i32 = arith.constant 0 : i32
    %c0_i32_0 = arith.constant 0 : i32
    return %arg0, %c0_i32 : i32, i32
  }
}

module attributes {stable_mosaic.version = 14 : i64} {
  func.func @_mm_fc_body(%arg0: i32, %arg1: memref<1024x256xf32, #tpu.memory_space<vmem>>, %arg2: memref<1024x1xf32, #tpu.memory_space<vmem>>, %arg3: memref<1x256xf32, #tpu.memory_space<vmem>>, %arg4: memref<256x128xf32, #tpu.memory_space<vmem>>, %arg5: memref<1x128xf32, #tpu.memory_space<vmem>>, %arg6: memref<1024x128xf32, #tpu.memory_space<vmem>>) attributes {dimension_semantics = [#tpu.dimension_semantics<arbitrary>], iteration_bounds = array<i64: 10>, scalar_prefetch = 0 : i64, scratch_operands = 0 : i64, tpu.core_type = #tpu.core_type<tc>, window_params = [{transform_indices = @transform_0, window_bounds = array<i64: 1024, 256>}, {transform_indices = @transform_1, window_bounds = array<i64: 1024, 1>}, {pipeline_mode = #tpu.pipeline_mode<synchronous>, transform_indices = @transform_2, window_bounds = array<i64: 1, 256>}, {pipeline_mode = #tpu.pipeline_mode<synchronous>, transform_indices = @transform_3, window_bounds = array<i64: 256, 128>}, {pipeline_mode = #tpu.pipeline_mode<synchronous>, transform_indices = @transform_4, window_bounds = array<i64: 1, 128>}, {transform_indices = @transform_5, window_bounds = array<i64: 1024, 128>}]} {
    %get3A = arith.constant 0 : index
    %get3A_0 = arith.constant 0 : index
    %get3A_1 = vector.load %arg2[%get3A, %get3A_0] : memref<1024x1xf32, #tpu.memory_space<vmem>>, vector<1024x1xf32>
    %max3A = arith.constant 1.000000e+00 : f32
    %max3A_2 = vector.broadcast %max3A : f32 to vector<1024x1xf32>
    %max3A_3 = arith.maximumf %get3A_1, %max3A_2 : vector<1024x1xf32>
    %rsqrt3A = math.rsqrt %max3A_3 : vector<1024x1xf32>
    %get3A_4 = arith.constant 0 : index
    %get3A_5 = arith.constant 0 : index
    %get3A_6 = vector.load %arg1[%get3A_4, %get3A_5] : memref<1024x256xf32, #tpu.memory_space<vmem>>, vector<1024x256xf32>
    %mul3A = vector.broadcast %rsqrt3A : vector<1024x1xf32> to vector<1024x256xf32>
    %mul3A_7 = arith.mulf %get3A_6, %mul3A : vector<1024x256xf32>
    %get3A_8 = arith.constant 0 : index
    %get3A_9 = arith.constant 0 : index
    %get3A_10 = vector.load %arg3[%get3A_8, %get3A_9] : memref<1x256xf32, #tpu.memory_space<vmem>>, vector<1x256xf32>
    %add3A = vector.broadcast %get3A_10 : vector<1x256xf32> to vector<1024x256xf32>
    %add3A_11 = arith.addf %mul3A_7, %add3A : vector<1024x256xf32>
    %max3A_12 = arith.constant 0.000000e+00 : f32
    %max3A_13 = vector.broadcast %max3A_12 : f32 to vector<1024x256xf32>
    %max3A_14 = arith.maximumf %add3A_11, %max3A_13 : vector<1024x256xf32>
    %get3A_15 = arith.constant 0 : index
    %get3A_16 = arith.constant 0 : index
    %get3A_17 = vector.load %arg4[%get3A_15, %get3A_16] : memref<256x128xf32, #tpu.memory_space<vmem>>, vector<256x128xf32>
    %dot_general3A = arith.constant dense<0.000000e+00> : vector<1024x128xf32>
    %dot_general3A_18 = tpu.matmul %max3A_14, %get3A_17, %dot_general3A {dimension_numbers = #tpu.dot_dimension_numbers<[1], [0], [0], [1], [0, 0, 1, 1], [], []>, transpose_lhs_hint = false} : vector<1024x256xf32>, vector<256x128xf32>, vector<1024x128xf32> -> vector<1024x128xf32>
    %get3A_19 = arith.constant 0 : index
    %get3A_20 = arith.constant 0 : index
    %get3A_21 = vector.load %arg5[%get3A_19, %get3A_20] : memref<1x128xf32, #tpu.memory_space<vmem>>, vector<1x128xf32>
    %add3A_22 = vector.broadcast %get3A_21 : vector<1x128xf32> to vector<1024x128xf32>
    %add3A_23 = arith.addf %dot_general3A_18, %add3A_22 : vector<1024x128xf32>
    %swap3A = arith.constant 0 : index
    %swap3A_24 = arith.constant 0 : index
    %swap3A_25 = vector.load %arg6[%swap3A, %swap3A_24] : memref<1024x128xf32, #tpu.memory_space<vmem>>, vector<1024x128xf32>
    tpu.vector_store %arg6[%swap3A, %swap3A_24], %add3A_23 {strides = array<i32>} : memref<1024x128xf32, #tpu.memory_space<vmem>>, vector<1024x128xf32>,
    return
  }
  func.func @transform_0(%arg0: i32) -> (i32, i32) {
    %c0_i32 = arith.constant 0 : i32
    %c0_i32_0 = arith.constant 0 : i32
    return %arg0, %c0_i32 : i32, i32
  }
  func.func @transform_1(%arg0: i32) -> (i32, i32) {
    %c0_i32 = arith.constant 0 : i32
    %c0_i32_0 = arith.constant 0 : i32
    return %arg0, %c0_i32 : i32, i32
  }
  func.func @transform_2(%arg0: i32) -> (i32, i32) {
    %c0_i32 = arith.constant 0 : i32
    %c0_i32_0 = arith.constant 0 : i32
    %c0_i32_1 = arith.constant 0 : i32
    return %c0_i32, %c0_i32_0 : i32, i32
  }
  func.func @transform_3(%arg0: i32) -> (i32, i32) {
    %c0_i32 = arith.constant 0 : i32
    %c0_i32_0 = arith.constant 0 : i32
    %c0_i32_1 = arith.constant 0 : i32
    return %c0_i32, %c0_i32_0 : i32, i32
  }
  func.func @transform_4(%arg0: i32) -> (i32, i32) {
    %c0_i32 = arith.constant 0 : i32
    %c0_i32_0 = arith.constant 0 : i32
    %c0_i32_1 = arith.constant 0 : i32
    return %c0_i32, %c0_i32_0 : i32, i32
  }
  func.func @transform_5(%arg0: i32) -> (i32, i32) {
    %c0_i32 = arith.constant 0 : i32
    %c0_i32_0 = arith.constant 0 : i32
    return %arg0, %c0_i32 : i32, i32
  }
}

</mosaic_0001>

<sc_bundles>
// kernel: kernel.10.cloned.1.call-start
scs
__scs_entry_jumppad:
0x0: {  	(pc) =	sbr.rel $0x88, $3  }
0x1: {  	(tag) =	ssettag $0x0;
	lr =	simm.s32 $0x1  }
0x2: {  	[smem:$0x3F97] =	sst lr;
	_ =	strace $0xD0000000  }
0x3: {  	_ = 	snop  }
0x4: {  	_ = 	snop  }
0x5: {  	_ = 	snop  }
0x6: {  	_ = 	snop  }
0x7: {  	_ = 	snop  }
__scs_overlays_trampoline_lowered:
0x8: {  	[smem:$0x3FA6] =	sst s0  }
0x9: {  	[smem:$0x3FA7] =	sst s1  }
0xa: {  	[smem:$0x3FA8] =	sst s2  }
0xb: {  	[smem:$0x3FA9] =	sst s3  }
0xc: {  	[smem:$0x3FAA] =	sst s4  }
0xd: {  	[smem:$0x3FAB] =	sst s5  }
0xe: {  	[smem:$0x3FAC] =	sst s6  }
0xf: {  	[smem:$0x3FAD] =	sst s7  }
0x10: {  	[smem:$0x3FAE] =	sst s8  }
0x11: {  	[smem:$0x3FAF] =	sst s9;
	s0 =	simm.s32 @!p0 $0x0  }
0x12: {  	s1 =	sld [smem:$0x3F95];
	s0 =	simm.s32 @p0 $0x1  }
0x13: {  	[smem:$0x3FB0] =	sst s0;
	s0 =	simm.s32 @!p1 $0x0  }
0x14: {  	s2 =	sld [smem:$0x3F94];
	s0 =	simm.s32 @p1 $0x1  }
0x15: {  	[smem:$0x3FB1] =	sst s0;
	s0 =	simm.s32 @!p2 $0x0  }
0x16: {  	s3 =	sld [smem:$0x3FDB];
	s0 =	simm.s32 @p2 $0x1  }
0x17: {  	s4 =	simm.s32 $0x1BF5;
	[smem:$0x3FB3] =	sst s0  }
0x18: {  	s0 =	sld [smem:$0x3F96];
	_ =	swait.ge [sflag:s4], $0x0  }
0x19: {  	s7 =	sld [smem:$0x3F97]  }
0x1a: {  	s8 =	sadd.s32 $0xFFFFE003, lr  }
0x1b: {  	s9 =	sadd.s32 $0xFFFFFEF7, lr;
	s5 =	simm.s32 $0xFFFFFFFF;
	p2 =	slt.u32 s8, $0xFFFFF086  }
0x1c: {  	p1 =	slt.u32 s9, $0xF7A;
	s5 =	simm.s32 @!p2 $0x0  }
0x1d: {  	s5 =	simm.s32 @p1 $0x1;
	p0 =	seq.s32 s7, s2  }
0x1e: {  	s7 =	smul.u32 @!p0 $0xF7A, s2;
	p2 =	seq.s32 @!p0 s5, $0x0  }
0x1f: {  	s9 =	smul.u32 $0xF7A, s1;
	s8 =	simm.s32 @!p0 $0x1BF5;
	p2 =	por !p2, p0  }
0x20: {  	[sflag:s8] =	ssyncset.s32 @!p0 $0xFFFFF086;
	s6 =	sadd.s32 @!p0 s3, s7;
	s7 =	simm.s32 @!p0 $0x108  }
0x21: {  	s3 =	sadd.s32 s3, s9;
	s6 =	sadd.s32 @!p0 $0x88, s6;
	s7 =	simm.s32 @p2 $0x1082  }
0x22: {  	[simem:s7], [sflag:s8] =	dma.local @!p0 [hbm:s6], $0xF7A  }
0x23: {  	s9 =	sor.u32 $0xD0000000, s2;
	s6 =	simm.s32 $0x108;
	_ =	swait.ge @!p0 [sflag:s8], $0x0  }
0x24: {  	s3 =	sadd.s32 $0x88, s3;
	s6 =	simm.s32 @!p1 $0x1082;
	[sflag:s4] =	ssyncset.s32 $0xFFFFF086  }
0x25: {  	[simem:s6], [sflag:s4] =	dma.local [hbm:s3], $0xF7A  }
0x26: {  	[smem:$0x3F97] =	sst s1;
	(tag) =	ssettag s2;
	_ =	strace s9  }
0x27: {  	s1 =	sld [smem:$0x3FA7]  }
0x28: {  	s2 =	sld [smem:$0x3FA8]  }
0x29: {  	s4 =	sld [smem:$0x3FAA]  }
0x2a: {  	p0 =	seq.s32 s5, $0x0;
	s5 =	sld [smem:$0x3FAB]  }
0x2b: {  	s6 =	sld [smem:$0x3FAC]  }
0x2c: {  	s7 =	sld [smem:$0x3FAD]  }
0x2d: {  	s3 =	simm.s32 $0x108;
	s8 =	sld [smem:$0x3FAE]  }
0x2e: {  	s3 =	simm.s32 @!p0 $0x1082;
	s9 =	sld [smem:$0x3FAF]  }
0x2f: {  	lr =	sadd.s32 s0, s3;
	s0 =	sld [smem:$0x3FA6]  }
0x30: {  	s3 =	sld [smem:$0x3FA9]  }
0x31: {  	[smem:$0x3FB2] =	sst s10  }
0x32: {  	s10 =	sld [smem:$0x3FB0];
	_ =	sdelay $0x3  }
0x33: {  	p0 =	seq.s32 s10, $0x1;
	s10 =	sld [smem:$0x3FB2];
	_ =	sdelay $0x3  }
0x34: {  	[smem:$0x3FB2] =	sst s10  }
0x35: {  	s10 =	sld [smem:$0x3FB1];
	_ =	sdelay $0x3  }
0x36: {  	p1 =	seq.s32 s10, $0x1;
	s10 =	sld [smem:$0x3FB2];
	_ =	sdelay $0x3  }
0x37: {  	[smem:$0x3FB2] =	sst s10  }
0x38: {  	s10 =	sld [smem:$0x3FB3]  }
0x39: {  	_ = 	snop;
	(pc) =	sbr.ind lr, $3  }
0x3a: {  	_ = 	snop  }
0x3b: {  	_ = 	snop  }
0x3c: {  	p2 =	seq.s32 s10, $0x1;
	s10 =	sld [smem:$0x3FB2]  }
0x3d: {  	_ =	shalt  }
0x3e: {  	_ =	shalt  }
0x3f: {  	_ =	shalt  }
0x40: {  	_ =	shalt  }
0x41: {  	_ =	shalt  }
0x42: {  	_ =	shalt  }
0x43: {  	_ =	shalt  }
0x44: {  	_ =	shalt  }
0x45: {  	_ =	shalt  }
0x46: {  	_ =	shalt  }
0x47: {  	_ =	shalt  }
0x48: {  	_ =	shalt  }
0x49: {  	_ =	shalt  }
0x4a: {  	_ =	shalt  }
0x4b: {  	_ =	shalt  }
0x4c: {  	_ =	shalt  }
0x4d: {  	_ =	shalt  }
0x4e: {  	_ =	shalt  }
0x4f: {  	_ =	shalt  }
0x50: {  	_ =	shalt  }
0x51: {  	_ =	shalt  }
0x52: {  	_ =	shalt  }
0x53: {  	_ =	shalt  }
0x54: {  	_ =	shalt  }
0x55: {  	_ =	shalt  }
0x56: {  	_ =	shalt  }
0x57: {  	_ =	shalt  }
0x58: {  	_ =	shalt  }
0x59: {  	_ =	shalt  }
0x5a: {  	_ =	shalt  }
0x5b: {  	_ =	shalt  }
0x5c: {  	_ =	shalt  }
0x5d: {  	_ =	shalt  }
0x5e: {  	_ =	shalt  }
0x5f: {  	_ =	shalt  }
0x60: {  	_ =	shalt  }
0x61: {  	_ =	shalt  }
0x62: {  	_ =	shalt  }
0x63: {  	_ =	shalt  }
0x64: {  	_ =	shalt  }
0x65: {  	_ =	shalt  }
0x66: {  	_ =	shalt  }
0x67: {  	_ =	shalt  }
0x68: {  	_ =	shalt  }
0x69: {  	_ =	shalt  }
0x6a: {  	_ =	shalt  }
0x6b: {  	_ =	shalt  }
0x6c: {  	_ =	shalt  }
0x6d: {  	_ =	shalt  }
0x6e: {  	_ =	shalt  }
0x6f: {  	_ =	shalt  }
0x70: {  	_ =	shalt  }
0x71: {  	_ =	shalt  }
0x72: {  	_ =	shalt  }
0x73: {  	_ =	shalt  }
0x74: {  	_ =	shalt  }
0x75: {  	_ =	shalt  }
0x76: {  	_ =	shalt  }
0x77: {  	_ =	shalt  }
0x78: {  	_ =	shalt  }
0x79: {  	_ =	shalt  }
0x7a: {  	_ =	shalt  }
0x7b: {  	_ =	shalt  }
0x7c: {  	_ =	shalt  }
0x7d: {  	_ =	shalt  }
0x7e: {  	_ =	shalt  }
0x7f: {  	_ =	shalt  }
0x80: {  	_ =	shalt  }
0x81: {  	_ =	shalt  }
0x82: {  	_ =	shalt  }
0x83: {  	_ =	shalt  }
0x84: {  	_ =	shalt  }
0x85: {  	_ =	shalt  }
0x86: {  	_ =	shalt  }
0x87: {  	_ =	shalt  }
.Lfunc_end0:
.L_simem_size_0:
called_computation_lowered:
.L_overlay_start_0:
0x88: {  	s2 =	sld [smem:$0x3FD9]  }
0x89: {  	s3 =	sld [smem:$0x3FFE];
	_ =	sdelay $0x1  }
0x8a: {  	s1 =	srdreg.scid  }
0x8b: {  	s0 =	sand.u32 $0x1, s1  }
0x8c: {  	s17 =	sshll.u32 s0, $0xA;
	s2 =	sadd.s32 s3, s2  }
0x8d: {  	s2 =	sadd.s32 s2, s17  }
0x8e: {  	[smem:$0x3FBE] =	sst s2  }
0x8f: {  	_ = 	snop  }
0x90: {  	s2 =	sld [smem:$0x3FD0];
	(tm) =	ssettm $0x1  }
0x91: {  	s18 =	sld [smem:$0x3FFB];
	_ =	sdelay $0x3  }
0x92: {  	_ =	strace s18  }
0x93: {  	s3 =	sld [smem:$0x3FFC];
	_ =	sdelay $0x3  }
0x94: {  	_ =	strace s3  }
0x95: {  	s3 =	sld [smem:$0x3FFD];
	_ =	sdelay $0x3  }
0x96: {  	_ =	strace s3  }
0x97: {  	_ =	strace $0x8FFFFFFF  }
0x98: {  	s19 =	sld [smem:$0x3FDB];
	_ =	sdelay $0x1  }
0x99: {  	s4 =	simm.s32 $_scs_section_size  }
0x9a: {  	s5 =	simm.s32 $_size__tile_overlayer_lowered;
	s6 =	simm.s32 $_tile_overlayer_lowered  }
0x9b: {  	s22 =	simm.s32 $0x1BFF;
	s21 =	sshll.u32 s6, $0x1;
	s3 =	sadd.s32 s4, s19  }
0x9c: {  	s7 =	simm.s32 $0x0;
	s20 =	sshll.u32 s5, $0x1;
	s5 =	sadd.s32 s21, s3  }
0x9d: {  	[timem:s7], [sflag:s22] =	dma.local [hbm:s5], s20  }
0x9e: {  	_ =	swait.ge [sflag:s22], s20  }
0x9f: {  	s4 =	ssub.s32 $0x0, s20;
	[sflag:s22] =	ssyncset.done $0x0  }
0xa0: {  	[sflag:s22] =	ssyncadd.s32 s4;
	_ =	sdelay $0x1  }
0xa1: {  	s23 =	simm.s32 $0x1B8B  }
0xa2: {  	_ =	swait.ge [sflag:s23], $0x1  }
0xa3: {  	[sflag:s23] =	ssyncset.done $0x0  }
0xa4: {  	s25 =	simm.s32 $0x1B8E;
	s24 =	sld [smem:$0x3FFE];
	[sflag:s23] =	ssyncadd.s32 $0xFFFFFFFF  }
0xa5: {  	s26 =	simm.s32 $execute0_lowered;
	[smem:$0x3FD2] =	sst s25  }
0xa6: {  	s5 =	sshll.u32 s26, $0x1;
	_ =	strace $0x80000046;
	[dreg:$0x1] =	wrdreg $0xFFFFFFFF  }
0xa7: {  	s28 =	simm.s32 $_size_execute0_lowered;
	s3 =	sadd.s32 s3, s5;
	[dreg:$0x0] =	wrdreg $0x0  }
0xa8: {  	s5 =	sshll.u32 s28, $0x1;
	[dreg:$0x2] =	wrdreg s3  }
0xa9: {  	[dreg:$0x3] =	wrdreg s5  }
0xaa: {  	[dreg:$0x4] =	wrdreg $0xC0  }
0xab: {  	_ =	task [dreg:s7], $0x5FFFF  }
0xac: {  	[dreg:$0x1] =	wrdreg $0xFFFFFFFF  }
0xad: {  	[dreg:$0x0] =	wrdreg $0x60  }
0xae: {  	[dreg:$0x2] =	wrdreg s24  }
0xaf: {  	[dreg:$0x3] =	wrdreg s2  }
0xb0: {  	[dreg:$0x4] =	wrdreg $0x0  }
0xb1: {  	[dreg:$0x5] =	wrdreg $0x9  }
0xb2: {  	_ =	task.clear_ibuf [dreg:s7], $0x6FFFF;
	_ =	strace $0x90000046  }
0xb3: {  	s29 =	simm.s32 $0x9;
	_ =	strace $0x80000048  }
0xb4: {  	_ =	swait.ge [sflag:s29], $0x1  }
0xb5: {  	[sflag:s29] =	ssyncadd.s32 $0xFFFFFFFF  }
0xb6: {  	_ =	strace $0x90000048  }
0xb7: {  	_ =	sfence  }
0xb8: {  	s30 =	sld [smem:$0x0];
	_ =	sdelay $0x2  }
0xb9: {  	s31 =	sshll.u32 s1, $0xD;
	s1 =	sshrl.u32 s1, $0x2  }
0xba: {  	s3 =	sand.u32 $0x4000, s31;
	s1 =	sadd.s32 s1, s30  }
0xbb: {  	s0 =	sor.u32 s3, s0;
	s1 =	sshll.u32 s1, $0x11  }
0xbc: {  	s0 =	sor.u32 s1, s0  }
0xbd: {  	s0 =	sadd.s32 $0x8F2B, s0  }
0xbe: {  	[sflag:s0] =	ssyncadd.remote.s32 $0x1  }
0xbf: {  	_ =	sfence.sel $0xFFFF  }
0xc0: {  	[dreg:$0x0] =	wrdreg $0xFFFFFFFF;
	(pc) =	sbr.abs _section_cstart, $3  }
0xc1: {  	[dreg:$0x1] =	wrdreg $0xFFFFFFFF  }
0xc2: {  	_ =	task.clear_ibuf [dreg:s7], $0x2FFFF;
	_ =	strace $0x9FFFFFFF  }
0xc3: {  	(tm) =	ssettm $0x7FFFFFFF  }
tec
execute0_lowered:
.L_overlay_start_1:
0x0: {  	(tag) =	ssettag $0x1  }
0x1: {  	s4 =	rddreg [dreg:$0x0];
	s0 =	srdreg.scid  }
0x2: {  	s8 =	stileid.u32;
	s6 =	rddreg [dreg:$0x1]  }
0x3: {  	s1 =	rddreg [dreg:$0x2];
	s2 =	simm.s32 $0x0;
	s12 =	simm.s32 $0x100  }
0x4: {  	s13 =	simm.s32 $0x2A80;
	s14 =	simm.s32 $0x5280;
	s15 =	simm.s32 $0x50  }
0x5: {  	s16 =	simm.s32 $0x0;
	s5 =	sand.u32 $0x1, s0;
	s0 =	rddreg [dreg:$0x3]  }
0x6: {  	s3 =	smul.u32 $0x5000, s8;
	[smem:$0x7FF] =	sst s2;
	p0 =	sne.s32 s8, $0x0  }
0x7: {  	s8 =	simm.s32 $0x280;
	s7 =	sshll.u32 s5, $0x7;
	s9 =	ssub.s32 $0x2, s5  }
0x8: {  	s11 =	smul.u32 $0x500, s5;
	s3 =	sor.u32 s7, s3;
	s10 =	sshrl.u32 s9, $0x1  }
0x9: {  	_ =	strace $0x80000047;
	s3 =	sshrl.u32 s3, $0x3;
	s9 =	ssub.s32 s9, s10  }
0xa: {  	s6 =	sadd.s32 s6, s11;
	s10 =	sshrl.u32 @!p0 s1, $0x3;
	s11 =	simm.s32 $0x80  }
0xb: {  	s31 =	sadd.s32 s3, s4;
	s3 =	sadd.s32 $0x11000, s4;
	s4 =	sadd.s32 $0x10E00, s4  }
0xc: {  	v0 =	vimm.f32 $1.000000000e+00;
	s7 =	smax.u32 s9, $0x1;
	s9 =	simm.s32 $0x1;
	s5 =	sadd.s32 $0x6E00, s31  }
.LBB2_1:
0xd: {  	[tilespmem:s8], [sflag:$0x1] =	stream.linear.gather [hbm4b:s3+s2], $0x2800, $0x38;
	[tilespmem:$0x5300] =	vst v63  }
0xe: {  	_ =	swait.ge [sflag:s9], $0x2800  }
0xf: {  	[sflag:s9] =	ssyncset.done $0x0  }
0x10: {  	s17 =	simm.s32 @!p0 $0x1C01;
	[sflag:s9] =	ssyncadd.s32 $0xFFFFD800  }
0x11: {  	[spmem:s10], [sflag:s17] =	dma.local @!p0 [hbm:s3], $0x500  }
0x12: {  	s17 =	simm.s32 @!p0 $0x1  }
0x13: {  	_ =	swait.ge @!p0 [sflag:s17], $0x500  }
0x14: {  	[sflag:s17] =	ssyncset.done @!p0 $0x0  }
0x15: {  	[sflag:s17] =	ssyncadd.s32 @!p0 $0xFFFFFB00  }
0x16: {  	[tilespmem:s13], [sflag:$0x1] =	stream.strided.gather [hbm4b:s5+s11], $0x2800, s12, s11, $0x38;
	[tilespmem:$0x5300] =	vst v63  }
0x17: {  	_ =	swait.ge [sflag:s9], $0x2800  }
0x18: {  	[sflag:s9] =	ssyncset.done $0x0  }
0x19: {  	[sflag:s9] =	ssyncadd.s32 $0xFFFFD800  }
0x1a: {  	[tilespmem:s14], [sflag:$0x1] =	stream.linear.gather [hbm4b:s4+s2], $0x80, $0x38;
	[tilespmem:$0x5300] =	vst v63  }
0x1b: {  	_ =	swait.ge [sflag:s9], $0x80  }
0x1c: {  	[sflag:s9] =	ssyncset.done $0x0  }
0x1d: {  	s18 =	simm.s32 $0x0;
	s17 =	simm.s32 $0x40;
	[sflag:s9] =	ssyncadd.s32 $0xFFFFFF80  }
.LBB2_2:
0x1e: {  	p1 =	sne.s32 s17, $0x9FC0;
	v1 =	vld [tilespmem:s18+$0x2A80];
	_ =	sdelay $0x3  }
.Ltmp0:
0x1f: {  	(pc) =	sbr.rel @p1 .LBB2_2-.Ltmp0, $2  }
0x20: {  	_ =	sdelay $0x2  }
0x21: {  	s18 =	sshra.s32 s17, $0x2;
	s17 =	sadd.s32 $0x40, s17;
	[tilespmem:v1+s8+$0x0] =	vst.idx.add.f32.msk $0xffff, v0  }
0x22: {  	v1 =	vld [tilespmem:s18+$0x2A80];
	_ =	sdelay $0x7  }
0x23: {  	[tilespmem:v1+s8+$0x0] =	vst.idx.add.f32.msk $0xffff, v0  }
0x24: {  	[bflag:$0x0] =	sbarrier.arrive $0xFFFF  }
0x25: {  	[spmem:s1] =	stream.indirect.scatter.add.f32 [tilespmem:s8], [sflag:$0x1], $0x80, s14, s15, $0xb8;
	[tilespmem:$0x5300] =	vst v63  }
0x26: {  	_ =	swait.ge [sflag:s9], $0x2800  }
0x27: {  	[sflag:s9] =	ssyncset.done $0x0  }
0x28: {  	s16 =	sadd.s32 $0x1, s16;
	[sflag:s9] =	ssyncadd.s32 $0xFFFFD800  }
0x29: {  	s17 =	simm.s32 @!p0 $0x1C01;
	p1 =	sne.s32 s16, s7;
	[bflag:$0x0] =	sbarrier.arrive $0xFFFF  }
0x2a: {  	[hbm:s6], [sflag:s17] =	dma.local @!p0 [spmem:s10], $0x500  }
.Ltmp1:
0x2b: {  	_ = 	snop;
	(pc) =	sbr.rel @p1 .LBB2_1-.Ltmp1, $4  }
0x2c: {  	s17 =	simm.s32 @!p0 $0x1  }
0x2d: {  	_ =	swait.ge @!p0 [sflag:s17], $0x500  }
0x2e: {  	[sflag:s17] =	ssyncset.done @!p0 $0x0  }
0x2f: {  	[sflag:s17] =	ssyncadd.s32 @!p0 $0xFFFFFB00  }
0x30: {  	_ =	sfence.sel $0x180000  }
0x31: {  	[bflag:$0x0] =	sbarrier.arrive $0xFFFF  }
0x32: {  	_ =	strace $0x90000047  }
0x33: {  	s0 =	sadd.s32 @!p0 $0x100000, s0;
	[bflag:$0x2] =	sbarrier.arrive $0xFFFF  }
0x34: {  	[sflag:s0] =	ssyncadd.tile.s32 @!p0 $0x1;
	_ =	shalt  }
.Lfunc_end2:
_tile_overlayer_lowered:
.L_overlay_start_2:
0x35: {  	(tag) =	ssettag $0x2  }
0x36: {  	s0 =	rddreg [dreg:$0x0];
	s2 =	stileid.u32  }
0x37: {  	s1 =	rddreg [dreg:$0x1];
	p0 =	sne.s32 s2, $0x0  }
0x38: {  	s3 =	rddreg [dreg:$0x2];
	[bflag:$0x3] =	sbarrier.arrive $0xFFFF;
	s2 =	simm.s32 @!p0 $0x1C01  }
0x39: {  	[timem:s3], [sflag:s2] =	dma.local @!p0 [hbm:s0], s1  }
0x3a: {  	s0 =	simm.s32 @!p0 $0x1  }
0x3b: {  	_ =	swait.ge @!p0 [sflag:s0], s1  }
0x3c: {  	s1 =	ssub.s32 @!p0 $0x0, s1;
	[sflag:s0] =	ssyncset.done @!p0 $0x0  }
0x3d: {  	[sflag:s0] =	ssyncadd.s32 @!p0 s1  }
0x3e: {  	[bflag:$0x3] =	sbarrier.arrive $0xFFFF  }
0x3f: {  	_ =	shalt  }

// kernel: kernel.13.cloned.1.call-start
scs
__scs_entry_jumppad:
0x0: {  	(pc) =	sbr.rel $0x88, $3  }
0x1: {  	(tag) =	ssettag $0x0;
	lr =	simm.s32 $0x1  }
0x2: {  	[smem:$0x3F97] =	sst lr;
	_ =	strace $0xD0000000  }
0x3: {  	_ = 	snop  }
0x4: {  	_ = 	snop  }
0x5: {  	_ = 	snop  }
0x6: {  	_ = 	snop  }
0x7: {  	_ = 	snop  }
__scs_overlays_trampoline_lowered:
0x8: {  	[smem:$0x3FA6] =	sst s0  }
0x9: {  	[smem:$0x3FA7] =	sst s1  }
0xa: {  	[smem:$0x3FA8] =	sst s2  }
0xb: {  	[smem:$0x3FA9] =	sst s3  }
0xc: {  	[smem:$0x3FAA] =	sst s4  }
0xd: {  	[smem:$0x3FAB] =	sst s5  }
0xe: {  	[smem:$0x3FAC] =	sst s6  }
0xf: {  	[smem:$0x3FAD] =	sst s7  }
0x10: {  	[smem:$0x3FAE] =	sst s8  }
0x11: {  	[smem:$0x3FAF] =	sst s9;
	s0 =	simm.s32 @!p0 $0x0  }
0x12: {  	s1 =	sld [smem:$0x3F95];
	s0 =	simm.s32 @p0 $0x1  }
0x13: {  	[smem:$0x3FB0] =	sst s0;
	s0 =	simm.s32 @!p1 $0x0  }
0x14: {  	s2 =	sld [smem:$0x3F94];
	s0 =	simm.s32 @p1 $0x1  }
0x15: {  	[smem:$0x3FB1] =	sst s0;
	s0 =	simm.s32 @!p2 $0x0  }
0x16: {  	s3 =	sld [smem:$0x3FDB];
	s0 =	simm.s32 @p2 $0x1  }
0x17: {  	s4 =	simm.s32 $0x1BF5;
	[smem:$0x3FB3] =	sst s0  }
0x18: {  	s0 =	sld [smem:$0x3F96];
	_ =	swait.ge [sflag:s4], $0x0  }
0x19: {  	s7 =	sld [smem:$0x3F97]  }
0x1a: {  	s8 =	sadd.s32 $0xFFFFE003, lr  }
0x1b: {  	s9 =	sadd.s32 $0xFFFFFEF7, lr;
	s5 =	simm.s32 $0xFFFFFFFF;
	p2 =	slt.u32 s8, $0xFFFFF086  }
0x1c: {  	p1 =	slt.u32 s9, $0xF7A;
	s5 =	simm.s32 @!p2 $0x0  }
0x1d: {  	s5 =	simm.s32 @p1 $0x1;
	p0 =	seq.s32 s7, s2  }
0x1e: {  	s7 =	smul.u32 @!p0 $0xF7A, s2;
	p2 =	seq.s32 @!p0 s5, $0x0  }
0x1f: {  	s9 =	smul.u32 $0xF7A, s1;
	s8 =	simm.s32 @!p0 $0x1BF5;
	p2 =	por !p2, p0  }
0x20: {  	[sflag:s8] =	ssyncset.s32 @!p0 $0xFFFFF086;
	s6 =	sadd.s32 @!p0 s3, s7;
	s7 =	simm.s32 @!p0 $0x108  }
0x21: {  	s3 =	sadd.s32 s3, s9;
	s6 =	sadd.s32 @!p0 $0x88, s6;
	s7 =	simm.s32 @p2 $0x1082  }
0x22: {  	[simem:s7], [sflag:s8] =	dma.local @!p0 [hbm:s6], $0xF7A  }
0x23: {  	s9 =	sor.u32 $0xD0000000, s2;
	s6 =	simm.s32 $0x108;
	_ =	swait.ge @!p0 [sflag:s8], $0x0  }
0x24: {  	s3 =	sadd.s32 $0x88, s3;
	s6 =	simm.s32 @!p1 $0x1082;
	[sflag:s4] =	ssyncset.s32 $0xFFFFF086  }
0x25: {  	[simem:s6], [sflag:s4] =	dma.local [hbm:s3], $0xF7A  }
0x26: {  	[smem:$0x3F97] =	sst s1;
	(tag) =	ssettag s2;
	_ =	strace s9  }
0x27: {  	s1 =	sld [smem:$0x3FA7]  }
0x28: {  	s2 =	sld [smem:$0x3FA8]  }
0x29: {  	s4 =	sld [smem:$0x3FAA]  }
0x2a: {  	p0 =	seq.s32 s5, $0x0;
	s5 =	sld [smem:$0x3FAB]  }
0x2b: {  	s6 =	sld [smem:$0x3FAC]  }
0x2c: {  	s7 =	sld [smem:$0x3FAD]  }
0x2d: {  	s3 =	simm.s32 $0x108;
	s8 =	sld [smem:$0x3FAE]  }
0x2e: {  	s3 =	simm.s32 @!p0 $0x1082;
	s9 =	sld [smem:$0x3FAF]  }
0x2f: {  	lr =	sadd.s32 s0, s3;
	s0 =	sld [smem:$0x3FA6]  }
0x30: {  	s3 =	sld [smem:$0x3FA9]  }
0x31: {  	[smem:$0x3FB2] =	sst s10  }
0x32: {  	s10 =	sld [smem:$0x3FB0];
	_ =	sdelay $0x3  }
0x33: {  	p0 =	seq.s32 s10, $0x1;
	s10 =	sld [smem:$0x3FB2];
	_ =	sdelay $0x3  }
0x34: {  	[smem:$0x3FB2] =	sst s10  }
0x35: {  	s10 =	sld [smem:$0x3FB1];
	_ =	sdelay $0x3  }
0x36: {  	p1 =	seq.s32 s10, $0x1;
	s10 =	sld [smem:$0x3FB2];
	_ =	sdelay $0x3  }
0x37: {  	[smem:$0x3FB2] =	sst s10  }
0x38: {  	s10 =	sld [smem:$0x3FB3]  }
0x39: {  	_ = 	snop;
	(pc) =	sbr.ind lr, $3  }
0x3a: {  	_ = 	snop  }
0x3b: {  	_ = 	snop  }
0x3c: {  	p2 =	seq.s32 s10, $0x1;
	s10 =	sld [smem:$0x3FB2]  }
0x3d: {  	_ =	shalt  }
0x3e: {  	_ =	shalt  }
0x3f: {  	_ =	shalt  }
0x40: {  	_ =	shalt  }
0x41: {  	_ =	shalt  }
0x42: {  	_ =	shalt  }
0x43: {  	_ =	shalt  }
0x44: {  	_ =	shalt  }
0x45: {  	_ =	shalt  }
0x46: {  	_ =	shalt  }
0x47: {  	_ =	shalt  }
0x48: {  	_ =	shalt  }
0x49: {  	_ =	shalt  }
0x4a: {  	_ =	shalt  }
0x4b: {  	_ =	shalt  }
0x4c: {  	_ =	shalt  }
0x4d: {  	_ =	shalt  }
0x4e: {  	_ =	shalt  }
0x4f: {  	_ =	shalt  }
0x50: {  	_ =	shalt  }
0x51: {  	_ =	shalt  }
0x52: {  	_ =	shalt  }
0x53: {  	_ =	shalt  }
0x54: {  	_ =	shalt  }
0x55: {  	_ =	shalt  }
0x56: {  	_ =	shalt  }
0x57: {  	_ =	shalt  }
0x58: {  	_ =	shalt  }
0x59: {  	_ =	shalt  }
0x5a: {  	_ =	shalt  }
0x5b: {  	_ =	shalt  }
0x5c: {  	_ =	shalt  }
0x5d: {  	_ =	shalt  }
0x5e: {  	_ =	shalt  }
0x5f: {  	_ =	shalt  }
0x60: {  	_ =	shalt  }
0x61: {  	_ =	shalt  }
0x62: {  	_ =	shalt  }
0x63: {  	_ =	shalt  }
0x64: {  	_ =	shalt  }
0x65: {  	_ =	shalt  }
0x66: {  	_ =	shalt  }
0x67: {  	_ =	shalt  }
0x68: {  	_ =	shalt  }
0x69: {  	_ =	shalt  }
0x6a: {  	_ =	shalt  }
0x6b: {  	_ =	shalt  }
0x6c: {  	_ =	shalt  }
0x6d: {  	_ =	shalt  }
0x6e: {  	_ =	shalt  }
0x6f: {  	_ =	shalt  }
0x70: {  	_ =	shalt  }
0x71: {  	_ =	shalt  }
0x72: {  	_ =	shalt  }
0x73: {  	_ =	shalt  }
0x74: {  	_ =	shalt  }
0x75: {  	_ =	shalt  }
0x76: {  	_ =	shalt  }
0x77: {  	_ =	shalt  }
0x78: {  	_ =	shalt  }
0x79: {  	_ =	shalt  }
0x7a: {  	_ =	shalt  }
0x7b: {  	_ =	shalt  }
0x7c: {  	_ =	shalt  }
0x7d: {  	_ =	shalt  }
0x7e: {  	_ =	shalt  }
0x7f: {  	_ =	shalt  }
0x80: {  	_ =	shalt  }
0x81: {  	_ =	shalt  }
0x82: {  	_ =	shalt  }
0x83: {  	_ =	shalt  }
0x84: {  	_ =	shalt  }
0x85: {  	_ =	shalt  }
0x86: {  	_ =	shalt  }
0x87: {  	_ =	shalt  }
.Lfunc_end0:
.L_simem_size_0:
called_computation.1_lowered:
.L_overlay_start_0:
0x88: {  	s2 =	sld [smem:$0x3FD9]  }
0x89: {  	s3 =	sld [smem:$0x3FFE];
	_ =	sdelay $0x1  }
0x8a: {  	s1 =	srdreg.scid  }
0x8b: {  	s0 =	sand.u32 $0x1, s1  }
0x8c: {  	s16 =	sshll.u32 s0, $0xA;
	s2 =	sadd.s32 s3, s2  }
0x8d: {  	s2 =	sadd.s32 s2, s16  }
0x8e: {  	[smem:$0x3FBE] =	sst s2  }
0x8f: {  	_ = 	snop  }
0x90: {  	(tm) =	ssettm $0x1  }
0x91: {  	s17 =	sld [smem:$0x3FFB];
	_ =	sdelay $0x3  }
0x92: {  	_ =	strace s17  }
0x93: {  	s2 =	sld [smem:$0x3FFC];
	_ =	sdelay $0x3  }
0x94: {  	_ =	strace s2  }
0x95: {  	s2 =	sld [smem:$0x3FFD];
	_ =	sdelay $0x3  }
0x96: {  	_ =	strace s2  }
0x97: {  	_ =	strace $0x8FFFFFFF  }
0x98: {  	s18 =	sld [smem:$0x3FDB];
	_ =	sdelay $0x1  }
0x99: {  	s19 =	simm.s32 $_scs_section_size  }
0x9a: {  	s4 =	simm.s32 $_size__tile_overlayer_lowered;
	s5 =	simm.s32 $_tile_overlayer_lowered  }
0x9b: {  	s22 =	simm.s32 $0x1BFF;
	s21 =	sshll.u32 s5, $0x1;
	s2 =	sadd.s32 s19, s18  }
0x9c: {  	s6 =	simm.s32 $0x0;
	s20 =	sshll.u32 s4, $0x1;
	s4 =	sadd.s32 s21, s2  }
0x9d: {  	[timem:s6], [sflag:s22] =	dma.local [hbm:s4], s20  }
0x9e: {  	_ =	swait.ge [sflag:s22], s20  }
0x9f: {  	s3 =	ssub.s32 $0x0, s20;
	[sflag:s22] =	ssyncset.done $0x0  }
0xa0: {  	[sflag:s22] =	ssyncadd.s32 s3;
	_ =	sdelay $0x1  }
0xa1: {  	s23 =	simm.s32 $0x1B8B  }
0xa2: {  	_ =	swait.ge [sflag:s23], $0x1  }
0xa3: {  	[sflag:s23] =	ssyncset.done $0x0  }
0xa4: {  	s25 =	simm.s32 $0x1B8E;
	s24 =	sld [smem:$0x3FFE];
	[sflag:s23] =	ssyncadd.s32 $0xFFFFFFFF  }
0xa5: {  	s26 =	simm.s32 $execute0_lowered;
	[smem:$0x3FD2] =	sst s25  }
0xa6: {  	s4 =	sshll.u32 s26, $0x1;
	_ =	strace $0x80000049;
	[dreg:$0x1] =	wrdreg $0xFFFFFFFF  }
0xa7: {  	s28 =	simm.s32 $_size_execute0_lowered;
	s2 =	sadd.s32 s2, s4;
	[dreg:$0x0] =	wrdreg $0x0  }
0xa8: {  	s4 =	sshll.u32 s28, $0x1;
	[dreg:$0x2] =	wrdreg s2  }
0xa9: {  	[dreg:$0x3] =	wrdreg s4  }
0xaa: {  	[dreg:$0x4] =	wrdreg $0xC0  }
0xab: {  	_ =	task [dreg:s6], $0x5FFFF  }
0xac: {  	[dreg:$0x1] =	wrdreg $0xFFFFFFFF  }
0xad: {  	[dreg:$0x0] =	wrdreg $0x60  }
0xae: {  	[dreg:$0x2] =	wrdreg s24  }
0xaf: {  	[dreg:$0x3] =	wrdreg $0x0  }
0xb0: {  	[dreg:$0x4] =	wrdreg $0x9  }
0xb1: {  	_ =	task.clear_ibuf [dreg:s6], $0x5FFFF;
	_ =	strace $0x90000049  }
0xb2: {  	s29 =	simm.s32 $0x9;
	_ =	strace $0x8000004B  }
0xb3: {  	_ =	swait.ge [sflag:s29], $0x1  }
0xb4: {  	[sflag:s29] =	ssyncadd.s32 $0xFFFFFFFF  }
0xb5: {  	_ =	strace $0x9000004B  }
0xb6: {  	_ =	sfence  }
0xb7: {  	s30 =	sld [smem:$0x0];
	_ =	sdelay $0x2  }
0xb8: {  	s31 =	sshll.u32 s1, $0xD;
	s1 =	sshrl.u32 s1, $0x2  }
0xb9: {  	s3 =	sand.u32 $0x4000, s31;
	s1 =	sadd.s32 s1, s30  }
0xba: {  	s0 =	sor.u32 s3, s0;
	s1 =	sshll.u32 s1, $0x11  }
0xbb: {  	s0 =	sor.u32 s1, s0  }
0xbc: {  	s0 =	sadd.s32 $0x8F2B, s0  }
0xbd: {  	[sflag:s0] =	ssyncadd.remote.s32 $0x1  }
0xbe: {  	_ =	sfence.sel $0xFFFF  }
0xbf: {  	[dreg:$0x0] =	wrdreg $0xFFFFFFFF;
	(pc) =	sbr.abs _section_cstart, $3  }
0xc0: {  	[dreg:$0x1] =	wrdreg $0xFFFFFFFF  }
0xc1: {  	_ =	task.clear_ibuf [dreg:s6], $0x2FFFF;
	_ =	strace $0x9FFFFFFF  }
0xc2: {  	(tm) =	ssettm $0x7FFFFFFF  }
0xc3: {  	_ =	shalt  }
tec
execute0_lowered:
.L_overlay_start_1:
0x0: {  	(tag) =	ssettag $0x1  }
0x1: {  	s0 =	rddreg [dreg:$0x0]  }
0x2: {  	s1 =	rddreg [dreg:$0x1];
	s12 =	stileid.u32  }
0x3: {  	s3 =	srdreg.scid;
	s2 =	simm.s32 $0x0;
	s13 =	simm.s32 $0x16800  }
0x4: {  	s14 =	simm.s32 $0x80;
	s15 =	simm.s32 $0x17000;
	s16 =	simm.s32 $0x1  }
0x5: {  	s17 =	simm.s32 $0x16080;
	s18 =	simm.s32 $0x16100;
	s19 =	simm.s32 $0x16180  }
0x6: {  	s20 =	simm.s32 $0x16200;
	s21 =	simm.s32 $0x16280;
	s4 =	smul.u32 $0x500, s12  }
0x7: {  	s28 =	simm.s32 $0x16500;
	s29 =	simm.s32 $0x16580;
	s6 =	smul.u32 $0x2800, s12  }
0x8: {  	s30 =	simm.s32 $0x16600;
	s31 =	simm.s32 $0x16680;
	s22 =	smul.u32 $0x14000, s12  }
0x9: {  	s5 =	sand.u32 $0x1, s3;
	[smem:$0x7FF] =	sst s2;
	s9 =	smul.u32 $0x16000, s12  }
0xa: {  	s3 =	sadd.s32 $0x6E00, s0;
	s26 =	sshll.u32 s12, $0x6;
	s7 =	smul.u32 $0x28000, s5  }
0xb: {  	s12 =	simm.s32 $0x16000;
	_ =	strace $0x8000004A;
	s8 =	smul.u32 $0x140000, s5  }
0xc: {  	s5 =	ssub.s32 $0x2, s5;
	s4 =	sadd.s32 s4, s0;
	s10 =	sshrl.u32 s9, $0x3  }
0xd: {  	s11 =	sshrl.u32 s5, $0x1;
	s24 =	sadd.s32 s9, s1;
	s6 =	sadd.s32 s7, s6  }
0xe: {  	s8 =	sadd.s32 s22, s8;
	s10 =	sadd.s32 s10, s0;
	s23 =	ssub.s32 s5, s11  }
0xf: {  	s7 =	sadd.s32 s22, s1;
	s9 =	sadd.s32 $0x1E00, s4;
	s11 =	simm.s32 $0x2  }
0x10: {  	s22 =	simm.s32 $0x16300;
	s1 =	simm.s32 $0x16780;
	s4 =	simm.s32 $0x0  }
0x11: {  	s6 =	sshrl.u32 s6, $0x3;
	s8 =	sshrl.u32 s8, $0x3;
	s25 =	sadd.s32 $0x56E00, s10  }
0x12: {  	s10 =	sor.u32 $0x1C02, s26;
	s26 =	sshrl.u32 s24, $0x3;
	[dreg:$0x3] =	wrdreg s25  }
0x13: {  	s24 =	simm.s32 $0x16400;
	s6 =	sadd.s32 s6, s0;
	[dreg:$0x7] =	wrdreg s26  }
0x14: {  	s0 =	sadd.s32 s8, s0;
	s25 =	smax.u32 s23, $0x1;
	[dreg:$0x4] =	wrdreg s10  }
0x15: {  	s23 =	simm.s32 $0x16380;
	s0 =	sadd.s32 $0x82E00, s0;
	[dreg:$0x6] =	wrdreg s25  }
0x16: {  	s26 =	simm.s32 $0x16480;
	[dreg:$0x5] =	wrdreg s0;
	s0 =	sshrl.u32 s7, $0x3  }
0x17: {  	s8 =	sadd.s32 $0x101600, s6;
	[dreg:$0x8] =	wrdreg s0;
	s0 =	simm.s32 $0x16700  }
.LBB2_1:
0x18: {  	s5 =	rddreg [dreg:$0x3]  }
0x19: {  	s6 =	rddreg [dreg:$0x7]  }
0x1a: {  	[spmem:s6], [sflag:s10] =	dma.local [hbm:s5], $0x2C00  }
0x1b: {  	_ =	swait.ge [sflag:s11], $0x2C00  }
0x1c: {  	[sflag:s11] =	ssyncset.done $0x0  }
0x1d: {  	[sflag:s11] =	ssyncadd.s32 $0xFFFFD400  }
0x1e: {  	s10 =	sadd.s32 $0x0, s9;
	[bflag:$0x0] =	sbarrier.arrive $0xFFFF  }
0x1f: {  	[tilespmem:s12], [sflag:$0x2] =	stream.linear.gather [hbm4b:s10+s2], $0x800, $0x38;
	[tilespmem:$0x1F000] =	vst v63  }
0x20: {  	_ =	swait.ge [sflag:s11], $0x800  }
0x21: {  	[sflag:s11] =	ssyncset.done $0x0  }
0x22: {  	s25 =	sadd.s32 $0x0, s8;
	[sflag:s11] =	ssyncadd.s32 $0xFFFFF800  }
0x23: {  	[tilespmem:s13], [sflag:$0x2] =	stream.linear.gather [hbm4b:s25+s2], $0x800, $0x38;
	[tilespmem:$0x1F000] =	vst v63  }
0x24: {  	_ =	swait.ge [sflag:s11], $0x800  }
0x25: {  	[sflag:s11] =	ssyncset.done $0x0  }
0x26: {  	[sflag:s11] =	ssyncadd.s32 $0xFFFFF800  }
0x27: {  	[tilespmem:s15], [sflag:$0x1] =	stream.indirect.gather [hbm4b:s3+s14], $0x100, s12, s14, $0xb8;
	[tilespmem:$0x1F000] =	vst v63  }
0x28: {  	_ =	swait.ge [sflag:s16], $0x8000  }
0x29: {  	[sflag:s16] =	ssyncset.done $0x0  }
0x2a: {  	[sflag:s16] =	ssyncadd.s32 $0xFFFF8000  }
0x2b: {  	[tilespmem:s15], [sflag:$0x1] =	stream.indirect.gather [hbm4b:s3+s14], $0x100, s17, s14, $0xb8;
	[tilespmem:$0x1F000] =	vst v63  }
0x2c: {  	_ =	swait.ge [sflag:s16], $0x8000  }
0x2d: {  	[sflag:s16] =	ssyncset.done $0x0  }
0x2e: {  	[sflag:s16] =	ssyncadd.s32 $0xFFFF8000  }
0x2f: {  	[tilespmem:s15], [sflag:$0x1] =	stream.indirect.gather [hbm4b:s3+s14], $0x100, s18, s14, $0xb8;
	[tilespmem:$0x1F000] =	vst v63  }
0x30: {  	_ =	swait.ge [sflag:s16], $0x8000  }
0x31: {  	[sflag:s16] =	ssyncset.done $0x0  }
0x32: {  	[sflag:s16] =	ssyncadd.s32 $0xFFFF8000  }
0x33: {  	[tilespmem:s15], [sflag:$0x1] =	stream.indirect.gather [hbm4b:s3+s14], $0x100, s19, s14, $0xb8;
	[tilespmem:$0x1F000] =	vst v63  }
0x34: {  	_ =	swait.ge [sflag:s16], $0x8000  }
0x35: {  	[sflag:s16] =	ssyncset.done $0x0  }
0x36: {  	[sflag:s16] =	ssyncadd.s32 $0xFFFF8000  }
0x37: {  	[tilespmem:s15], [sflag:$0x1] =	stream.indirect.gather [hbm4b:s3+s14], $0x100, s20, s14, $0xb8;
	[tilespmem:$0x1F000] =	vst v63  }
0x38: {  	_ =	swait.ge [sflag:s16], $0x8000  }
0x39: {  	[sflag:s16] =	ssyncset.done $0x0  }
0x3a: {  	[sflag:s16] =	ssyncadd.s32 $0xFFFF8000  }
0x3b: {  	[tilespmem:s15], [sflag:$0x1] =	stream.indirect.gather [hbm4b:s3+s14], $0x100, s21, s14, $0xb8;
	[tilespmem:$0x1F000] =	vst v63  }
0x3c: {  	_ =	swait.ge [sflag:s16], $0x8000  }
0x3d: {  	[sflag:s16] =	ssyncset.done $0x0  }
0x3e: {  	[sflag:s16] =	ssyncadd.s32 $0xFFFF8000  }
0x3f: {  	[tilespmem:s15], [sflag:$0x1] =	stream.indirect.gather [hbm4b:s3+s14], $0x100, s22, s14, $0xb8;
	[tilespmem:$0x1F000] =	vst v63  }
0x40: {  	_ =	swait.ge [sflag:s16], $0x8000  }
0x41: {  	[sflag:s16] =	ssyncset.done $0x0  }
0x42: {  	[sflag:s16] =	ssyncadd.s32 $0xFFFF8000  }
0x43: {  	[tilespmem:s15], [sflag:$0x1] =	stream.indirect.gather [hbm4b:s3+s14], $0x100, s23, s14, $0xb8;
	[tilespmem:$0x1F000] =	vst v63  }
0x44: {  	_ =	swait.ge [sflag:s16], $0x8000  }
0x45: {  	[sflag:s16] =	ssyncset.done $0x0  }
0x46: {  	[sflag:s16] =	ssyncadd.s32 $0xFFFF8000  }
0x47: {  	[tilespmem:s15], [sflag:$0x1] =	stream.indirect.gather [hbm4b:s3+s14], $0x100, s24, s14, $0xb8;
	[tilespmem:$0x1F000] =	vst v63  }
0x48: {  	_ =	swait.ge [sflag:s16], $0x8000  }
0x49: {  	[sflag:s16] =	ssyncset.done $0x0  }
0x4a: {  	[sflag:s16] =	ssyncadd.s32 $0xFFFF8000  }
0x4b: {  	[tilespmem:s15], [sflag:$0x1] =	stream.indirect.gather [hbm4b:s3+s14], $0x100, s26, s14, $0xb8;
	[tilespmem:$0x1F000] =	vst v63  }
0x4c: {  	_ =	swait.ge [sflag:s16], $0x8000  }
0x4d: {  	[sflag:s16] =	ssyncset.done $0x0  }
0x4e: {  	[sflag:s16] =	ssyncadd.s32 $0xFFFF8000  }
0x4f: {  	[tilespmem:s15], [sflag:$0x1] =	stream.indirect.gather [hbm4b:s3+s14], $0x100, s28, s14, $0xb8;
	[tilespmem:$0x1F000] =	vst v63  }
0x50: {  	_ =	swait.ge [sflag:s16], $0x8000  }
0x51: {  	[sflag:s16] =	ssyncset.done $0x0  }
0x52: {  	[sflag:s16] =	ssyncadd.s32 $0xFFFF8000  }
0x53: {  	[tilespmem:s15], [sflag:$0x1] =	stream.indirect.gather [hbm4b:s3+s14], $0x100, s29, s14, $0xb8;
	[tilespmem:$0x1F000] =	vst v63  }
0x54: {  	_ =	swait.ge [sflag:s16], $0x8000  }
0x55: {  	[sflag:s16] =	ssyncset.done $0x0  }
0x56: {  	[sflag:s16] =	ssyncadd.s32 $0xFFFF8000  }
0x57: {  	[tilespmem:s15], [sflag:$0x1] =	stream.indirect.gather [hbm4b:s3+s14], $0x100, s30, s14, $0xb8;
	[tilespmem:$0x1F000] =	vst v63  }
0x58: {  	_ =	swait.ge [sflag:s16], $0x8000  }
0x59: {  	[sflag:s16] =	ssyncset.done $0x0  }
0x5a: {  	[sflag:s16] =	ssyncadd.s32 $0xFFFF8000  }
0x5b: {  	[tilespmem:s15], [sflag:$0x1] =	stream.indirect.gather [hbm4b:s3+s14], $0x100, s31, s14, $0xb8;
	[tilespmem:$0x1F000] =	vst v63  }
0x5c: {  	_ =	swait.ge [sflag:s16], $0x8000  }
0x5d: {  	[sflag:s16] =	ssyncset.done $0x0  }
0x5e: {  	[sflag:s16] =	ssyncadd.s32 $0xFFFF8000  }
0x5f: {  	[tilespmem:s15], [sflag:$0x1] =	stream.indirect.gather [hbm4b:s3+s14], $0x100, s0, s14, $0xb8;
	[tilespmem:$0x1F000] =	vst v63  }
0x60: {  	_ =	swait.ge [sflag:s16], $0x8000  }
0x61: {  	[sflag:s16] =	ssyncset.done $0x0  }
0x62: {  	[sflag:s16] =	ssyncadd.s32 $0xFFFF8000  }
0x63: {  	[tilespmem:s15], [sflag:$0x1] =	stream.indirect.gather [hbm4b:s3+s14], $0x100, s1, s14, $0xb8;
	[tilespmem:$0x1F000] =	vst v63  }
0x64: {  	_ =	swait.ge [sflag:s16], $0x8000  }
0x65: {  	s7 =	simm.s32 $0x200;
	s6 =	simm.s32 $0x100;
	[sflag:s16] =	ssyncset.done $0x0  }
.LBB2_2:
0x66: {  	s25 =	sadd.s32 s6, s9  }
0x67: {  	[sflag:s16] =	ssyncadd.s32 $0xFFFF8000;
	s5 =	smov.u32 s7;
	s10 =	sadd.s32 $0x100, s7  }
0x68: {  	[tilespmem:s12], [sflag:$0x2] =	stream.linear.gather [hbm4b:s25+s2], $0x800, $0x38;
	[tilespmem:$0x1F000] =	vst v63  }
0x69: {  	p0 =	sne.s32 s7, $0x400;
	_ =	swait.ge [sflag:s11], $0x800  }
0x6a: {  	[sflag:s11] =	ssyncset.done $0x0  }
0x6b: {  	s7 =	sadd.s32 s6, s8;
	s6 =	smov.u32 s5;
	[sflag:s11] =	ssyncadd.s32 $0xFFFFF800  }
0x6c: {  	[tilespmem:s13], [sflag:$0x2] =	stream.linear.gather [hbm4b:s7+s2], $0x800, $0x38;
	[tilespmem:$0x1F000] =	vst v63  }
0x6d: {  	_ =	swait.ge [sflag:s11], $0x800  }
0x6e: {  	[sflag:s11] =	ssyncset.done $0x0  }
0x6f: {  	[sflag:s11] =	ssyncadd.s32 $0xFFFFF800  }
0x70: {  	[tilespmem:s15], [sflag:$0x1] =	stream.indirect.gather [hbm4b:s3+s14], $0x100, s12, s14, $0xb8;
	[tilespmem:$0x1F000] =	vst v63  }
0x71: {  	_ =	swait.ge [sflag:s16], $0x8000  }
0x72: {  	[sflag:s16] =	ssyncset.done $0x0  }
0x73: {  	[sflag:s16] =	ssyncadd.s32 $0xFFFF8000  }
0x74: {  	[tilespmem:s15], [sflag:$0x1] =	stream.indirect.gather [hbm4b:s3+s14], $0x100, s17, s14, $0xb8;
	[tilespmem:$0x1F000] =	vst v63  }
0x75: {  	_ =	swait.ge [sflag:s16], $0x8000  }
0x76: {  	[sflag:s16] =	ssyncset.done $0x0  }
0x77: {  	[sflag:s16] =	ssyncadd.s32 $0xFFFF8000  }
0x78: {  	[tilespmem:s15], [sflag:$0x1] =	stream.indirect.gather [hbm4b:s3+s14], $0x100, s18, s14, $0xb8;
	[tilespmem:$0x1F000] =	vst v63  }
0x79: {  	_ =	swait.ge [sflag:s16], $0x8000  }
0x7a: {  	[sflag:s16] =	ssyncset.done $0x0  }
0x7b: {  	[sflag:s16] =	ssyncadd.s32 $0xFFFF8000  }
0x7c: {  	[tilespmem:s15], [sflag:$0x1] =	stream.indirect.gather [hbm4b:s3+s14], $0x100, s19, s14, $0xb8;
	[tilespmem:$0x1F000] =	vst v63  }
0x7d: {  	_ =	swait.ge [sflag:s16], $0x8000  }
0x7e: {  	[sflag:s16] =	ssyncset.done $0x0  }
0x7f: {  	[sflag:s16] =	ssyncadd.s32 $0xFFFF8000  }
0x80: {  	[tilespmem:s15], [sflag:$0x1] =	stream.indirect.gather [hbm4b:s3+s14], $0x100, s20, s14, $0xb8;
	[tilespmem:$0x1F000] =	vst v63  }
0x81: {  	_ =	swait.ge [sflag:s16], $0x8000  }
0x82: {  	[sflag:s16] =	ssyncset.done $0x0  }
0x83: {  	[sflag:s16] =	ssyncadd.s32 $0xFFFF8000  }
0x84: {  	[tilespmem:s15], [sflag:$0x1] =	stream.indirect.gather [hbm4b:s3+s14], $0x100, s21, s14, $0xb8;
	[tilespmem:$0x1F000] =	vst v63  }
0x85: {  	_ =	swait.ge [sflag:s16], $0x8000  }
0x86: {  	[sflag:s16] =	ssyncset.done $0x0  }
0x87: {  	[sflag:s16] =	ssyncadd.s32 $0xFFFF8000  }
0x88: {  	[tilespmem:s15], [sflag:$0x1] =	stream.indirect.gather [hbm4b:s3+s14], $0x100, s22, s14, $0xb8;
	[tilespmem:$0x1F000] =	vst v63  }
0x89: {  	_ =	swait.ge [sflag:s16], $0x8000  }
0x8a: {  	[sflag:s16] =	ssyncset.done $0x0  }
0x8b: {  	[sflag:s16] =	ssyncadd.s32 $0xFFFF8000  }
0x8c: {  	[tilespmem:s15], [sflag:$0x1] =	stream.indirect.gather [hbm4b:s3+s14], $0x100, s23, s14, $0xb8;
	[tilespmem:$0x1F000] =	vst v63  }
0x8d: {  	_ =	swait.ge [sflag:s16], $0x8000  }
0x8e: {  	[sflag:s16] =	ssyncset.done $0x0  }
0x8f: {  	[sflag:s16] =	ssyncadd.s32 $0xFFFF8000  }
0x90: {  	[tilespmem:s15], [sflag:$0x1] =	stream.indirect.gather [hbm4b:s3+s14], $0x100, s24, s14, $0xb8;
	[tilespmem:$0x1F000] =	vst v63  }
0x91: {  	_ =	swait.ge [sflag:s16], $0x8000  }
0x92: {  	[sflag:s16] =	ssyncset.done $0x0  }
0x93: {  	[sflag:s16] =	ssyncadd.s32 $0xFFFF8000  }
0x94: {  	[tilespmem:s15], [sflag:$0x1] =	stream.indirect.gather [hbm4b:s3+s14], $0x100, s26, s14, $0xb8;
	[tilespmem:$0x1F000] =	vst v63  }
0x95: {  	_ =	swait.ge [sflag:s16], $0x8000  }
0x96: {  	[sflag:s16] =	ssyncset.done $0x0  }
0x97: {  	[sflag:s16] =	ssyncadd.s32 $0xFFFF8000  }
0x98: {  	[tilespmem:s15], [sflag:$0x1] =	stream.indirect.gather [hbm4b:s3+s14], $0x100, s28, s14, $0xb8;
	[tilespmem:$0x1F000] =	vst v63  }
0x99: {  	_ =	swait.ge [sflag:s16], $0x8000  }
0x9a: {  	[sflag:s16] =	ssyncset.done $0x0  }
0x9b: {  	[sflag:s16] =	ssyncadd.s32 $0xFFFF8000  }
0x9c: {  	[tilespmem:s15], [sflag:$0x1] =	stream.indirect.gather [hbm4b:s3+s14], $0x100, s29, s14, $0xb8;
	[tilespmem:$0x1F000] =	vst v63  }
0x9d: {  	_ =	swait.ge [sflag:s16], $0x8000  }
0x9e: {  	[sflag:s16] =	ssyncset.done $0x0  }
0x9f: {  	[sflag:s16] =	ssyncadd.s32 $0xFFFF8000  }
0xa0: {  	[tilespmem:s15], [sflag:$0x1] =	stream.indirect.gather [hbm4b:s3+s14], $0x100, s30, s14, $0xb8;
	[tilespmem:$0x1F000] =	vst v63  }
0xa1: {  	_ =	swait.ge [sflag:s16], $0x8000  }
0xa2: {  	[sflag:s16] =	ssyncset.done $0x0  }
0xa3: {  	[sflag:s16] =	ssyncadd.s32 $0xFFFF8000  }
0xa4: {  	[tilespmem:s15], [sflag:$0x1] =	stream.indirect.gather [hbm4b:s3+s14], $0x100, s31, s14, $0xb8;
	[tilespmem:$0x1F000] =	vst v63  }
0xa5: {  	_ =	swait.ge [sflag:s16], $0x8000  }
0xa6: {  	[sflag:s16] =	ssyncset.done $0x0  }
0xa7: {  	[sflag:s16] =	ssyncadd.s32 $0xFFFF8000  }
0xa8: {  	[tilespmem:s15], [sflag:$0x1] =	stream.indirect.gather [hbm4b:s3+s14], $0x100, s0, s14, $0xb8;
	[tilespmem:$0x1F000] =	vst v63  }
0xa9: {  	_ =	swait.ge [sflag:s16], $0x8000  }
.Ltmp0:
0xaa: {  	[sflag:s16] =	ssyncset.done $0x0;
	(pc) =	sbr.rel @p0 .LBB2_2-.Ltmp0, $4  }
0xab: {  	[sflag:s16] =	ssyncadd.s32 $0xFFFF8000  }
0xac: {  	[tilespmem:s15], [sflag:$0x1] =	stream.indirect.gather [hbm4b:s3+s14], $0x100, s1, s14, $0xb8;
	[tilespmem:$0x1F000] =	vst v63  }
0xad: {  	_ =	swait.ge [sflag:s16], $0x8000  }
0xae: {  	s7 =	smov.u32 s10;
	[sflag:s16] =	ssyncset.done $0x0  }
0xaf: {  	s5 =	sadd.s32 s6, s9;
	[sflag:s16] =	ssyncadd.s32 $0xFFFF8000  }
0xb0: {  	[tilespmem:s12], [sflag:$0x2] =	stream.linear.gather [hbm4b:s5+s2], $0x800, $0x38;
	[tilespmem:$0x1F000] =	vst v63  }
0xb1: {  	_ =	swait.ge [sflag:s11], $0x800  }
0xb2: {  	[sflag:s11] =	ssyncset.done $0x0  }
0xb3: {  	s25 =	sadd.s32 s6, s8;
	[sflag:s11] =	ssyncadd.s32 $0xFFFFF800  }
0xb4: {  	[tilespmem:s13], [sflag:$0x2] =	stream.linear.gather [hbm4b:s25+s2], $0x800, $0x38;
	[tilespmem:$0x1F000] =	vst v63  }
0xb5: {  	_ =	swait.ge [sflag:s11], $0x800  }
0xb6: {  	[sflag:s11] =	ssyncset.done $0x0  }
0xb7: {  	[sflag:s11] =	ssyncadd.s32 $0xFFFFF800  }
0xb8: {  	[tilespmem:s15], [sflag:$0x1] =	stream.indirect.gather [hbm4b:s3+s14], $0x100, s12, s14, $0xb8;
	[tilespmem:$0x1F000] =	vst v63  }
0xb9: {  	_ =	swait.ge [sflag:s16], $0x8000  }
0xba: {  	[sflag:s16] =	ssyncset.done $0x0  }
0xbb: {  	[sflag:s16] =	ssyncadd.s32 $0xFFFF8000  }
0xbc: {  	[tilespmem:s15], [sflag:$0x1] =	stream.indirect.gather [hbm4b:s3+s14], $0x100, s17, s14, $0xb8;
	[tilespmem:$0x1F000] =	vst v63  }
0xbd: {  	_ =	swait.ge [sflag:s16], $0x8000  }
0xbe: {  	[sflag:s16] =	ssyncset.done $0x0  }
0xbf: {  	[sflag:s16] =	ssyncadd.s32 $0xFFFF8000  }
0xc0: {  	[tilespmem:s15], [sflag:$0x1] =	stream.indirect.gather [hbm4b:s3+s14], $0x100, s18, s14, $0xb8;
	[tilespmem:$0x1F000] =	vst v63  }
0xc1: {  	_ =	swait.ge [sflag:s16], $0x8000  }
0xc2: {  	[sflag:s16] =	ssyncset.done $0x0  }
0xc3: {  	[sflag:s16] =	ssyncadd.s32 $0xFFFF8000  }
0xc4: {  	[tilespmem:s15], [sflag:$0x1] =	stream.indirect.gather [hbm4b:s3+s14], $0x100, s19, s14, $0xb8;
	[tilespmem:$0x1F000] =	vst v63  }
0xc5: {  	_ =	swait.ge [sflag:s16], $0x8000  }
0xc6: {  	[sflag:s16] =	ssyncset.done $0x0  }
0xc7: {  	[sflag:s16] =	ssyncadd.s32 $0xFFFF8000  }
0xc8: {  	[tilespmem:s15], [sflag:$0x1] =	stream.indirect.gather [hbm4b:s3+s14], $0x100, s20, s14, $0xb8;
	[tilespmem:$0x1F000] =	vst v63  }
0xc9: {  	_ =	swait.ge [sflag:s16], $0x8000  }
0xca: {  	[sflag:s16] =	ssyncset.done $0x0  }
0xcb: {  	[sflag:s16] =	ssyncadd.s32 $0xFFFF8000  }
0xcc: {  	[tilespmem:s15], [sflag:$0x1] =	stream.indirect.gather [hbm4b:s3+s14], $0x100, s21, s14, $0xb8;
	[tilespmem:$0x1F000] =	vst v63  }
0xcd: {  	_ =	swait.ge [sflag:s16], $0x8000  }
0xce: {  	[sflag:s16] =	ssyncset.done $0x0  }
0xcf: {  	[sflag:s16] =	ssyncadd.s32 $0xFFFF8000  }
0xd0: {  	[tilespmem:s15], [sflag:$0x1] =	stream.indirect.gather [hbm4b:s3+s14], $0x100, s22, s14, $0xb8;
	[tilespmem:$0x1F000] =	vst v63  }
0xd1: {  	_ =	swait.ge [sflag:s16], $0x8000  }
0xd2: {  	[sflag:s16] =	ssyncset.done $0x0  }
0xd3: {  	[sflag:s16] =	ssyncadd.s32 $0xFFFF8000  }
0xd4: {  	[tilespmem:s15], [sflag:$0x1] =	stream.indirect.gather [hbm4b:s3+s14], $0x100, s23, s14, $0xb8;
	[tilespmem:$0x1F000] =	vst v63  }
0xd5: {  	_ =	swait.ge [sflag:s16], $0x8000  }
0xd6: {  	[sflag:s16] =	ssyncset.done $0x0  }
0xd7: {  	[sflag:s16] =	ssyncadd.s32 $0xFFFF8000  }
0xd8: {  	[tilespmem:s15], [sflag:$0x1] =	stream.indirect.gather [hbm4b:s3+s14], $0x100, s24, s14, $0xb8;
	[tilespmem:$0x1F000] =	vst v63  }
0xd9: {  	_ =	swait.ge [sflag:s16], $0x8000  }
0xda: {  	[sflag:s16] =	ssyncset.done $0x0  }
0xdb: {  	[sflag:s16] =	ssyncadd.s32 $0xFFFF8000  }
0xdc: {  	[tilespmem:s15], [sflag:$0x1] =	stream.indirect.gather [hbm4b:s3+s14], $0x100, s26, s14, $0xb8;
	[tilespmem:$0x1F000] =	vst v63  }
0xdd: {  	_ =	swait.ge [sflag:s16], $0x8000  }
0xde: {  	[sflag:s16] =	ssyncset.done $0x0  }
0xdf: {  	[sflag:s16] =	ssyncadd.s32 $0xFFFF8000  }
0xe0: {  	[tilespmem:s15], [sflag:$0x1] =	stream.indirect.gather [hbm4b:s3+s14], $0x100, s28, s14, $0xb8;
	[tilespmem:$0x1F000] =	vst v63  }
0xe1: {  	_ =	swait.ge [sflag:s16], $0x8000  }
0xe2: {  	[sflag:s16] =	ssyncset.done $0x0  }
0xe3: {  	[sflag:s16] =	ssyncadd.s32 $0xFFFF8000  }
0xe4: {  	[tilespmem:s15], [sflag:$0x1] =	stream.indirect.gather [hbm4b:s3+s14], $0x100, s29, s14, $0xb8;
	[tilespmem:$0x1F000] =	vst v63  }
0xe5: {  	_ =	swait.ge [sflag:s16], $0x8000  }
0xe6: {  	[sflag:s16] =	ssyncset.done $0x0  }
0xe7: {  	[sflag:s16] =	ssyncadd.s32 $0xFFFF8000  }
0xe8: {  	[tilespmem:s15], [sflag:$0x1] =	stream.indirect.gather [hbm4b:s3+s14], $0x100, s30, s14, $0xb8;
	[tilespmem:$0x1F000] =	vst v63  }
0xe9: {  	_ =	swait.ge [sflag:s16], $0x8000  }
0xea: {  	[sflag:s16] =	ssyncset.done $0x0  }
0xeb: {  	[sflag:s16] =	ssyncadd.s32 $0xFFFF8000  }
0xec: {  	[tilespmem:s15], [sflag:$0x1] =	stream.indirect.gather [hbm4b:s3+s14], $0x100, s31, s14, $0xb8;
	[tilespmem:$0x1F000] =	vst v63  }
0xed: {  	_ =	swait.ge [sflag:s16], $0x8000  }
0xee: {  	[sflag:s16] =	ssyncset.done $0x0  }
0xef: {  	[sflag:s16] =	ssyncadd.s32 $0xFFFF8000  }
0xf0: {  	[tilespmem:s15], [sflag:$0x1] =	stream.indirect.gather [hbm4b:s3+s14], $0x100, s0, s14, $0xb8;
	[tilespmem:$0x1F000] =	vst v63  }
0xf1: {  	_ =	swait.ge [sflag:s16], $0x8000  }
0xf2: {  	[sflag:s16] =	ssyncset.done $0x0  }
0xf3: {  	[sflag:s16] =	ssyncadd.s32 $0xFFFF8000  }
0xf4: {  	[tilespmem:s15], [sflag:$0x1] =	stream.indirect.gather [hbm4b:s3+s14], $0x100, s1, s14, $0xb8;
	[tilespmem:$0x1F000] =	vst v63  }
0xf5: {  	_ =	swait.ge [sflag:s16], $0x8000  }
0xf6: {  	[sflag:s16] =	ssyncset.done $0x0  }
0xf7: {  	[sflag:s16] =	ssyncadd.s32 $0xFFFF8000  }
0xf8: {  	[bflag:$0x0] =	sbarrier.arrive $0xFFFF  }
0xf9: {  	s10 =	rddreg [dreg:$0x4]  }
0xfa: {  	s6 =	rddreg [dreg:$0x5]  }
0xfb: {  	s7 =	rddreg [dreg:$0x8]  }
0xfc: {  	[hbm:s6], [sflag:s10] =	dma.local [spmem:s7], $0x2800  }
0xfd: {  	_ =	swait.ge [sflag:s11], $0x2800  }
0xfe: {  	s4 =	sadd.s32 $0x1, s4;
	s25 =	rddreg [dreg:$0x6]  }
0xff: {  	p0 =	sne.s32 s4, s25  }
.Ltmp1:
0x100: {  	_ = 	snop;
	(pc) =	sbr.rel @p0 .LBB2_1-.Ltmp1, $3  }
0x101: {  	_ =	sdelay $0x1  }
0x102: {  	[sflag:s11] =	ssyncset.done $0x0  }
0x103: {  	[sflag:s11] =	ssyncadd.s32 $0xFFFFD800  }
0x104: {  	_ =	sfence.sel $0x180000  }
0x105: {  	[bflag:$0x0] =	sbarrier.arrive $0xFFFF  }
0x106: {  	_ =	strace $0x9000004A  }
0x107: {  	s0 =	stileid.u32;
	[bflag:$0x2] =	sbarrier.arrive $0xFFFF  }
0x108: {  	p0 =	sne.s32 s0, $0x0;
	s0 =	rddreg [dreg:$0x2]  }
0x109: {  	s0 =	sadd.s32 @!p0 $0x100000, s0  }
0x10a: {  	[sflag:s0] =	ssyncadd.tile.s32 @!p0 $0x1;
	_ =	shalt  }
.Lfunc_end2:
_tile_overlayer_lowered:
.L_overlay_start_2:
0x10b: {  	(tag) =	ssettag $0x2  }
0x10c: {  	s0 =	rddreg [dreg:$0x0];
	s2 =	stileid.u32  }
0x10d: {  	s1 =	rddreg [dreg:$0x1];
	p0 =	sne.s32 s2, $0x0  }
0x10e: {  	s3 =	rddreg [dreg:$0x2];
	[bflag:$0x3] =	sbarrier.arrive $0xFFFF;
	s2 =	simm.s32 @!p0 $0x1C02  }
0x10f: {  	[timem:s3], [sflag:s2] =	dma.local @!p0 [hbm:s0], s1  }
0x110: {  	s0 =	simm.s32 @!p0 $0x2  }
0x111: {  	_ =	swait.ge @!p0 [sflag:s0], s1  }
0x112: {  	s1 =	ssub.s32 @!p0 $0x0, s1;
	[sflag:s0] =	ssyncset.done @!p0 $0x0  }
0x113: {  	[sflag:s0] =	ssyncadd.s32 @!p0 s1  }
0x114: {  	[bflag:$0x3] =	sbarrier.arrive $0xFFFF  }
0x115: {  	_ =	shalt  }

// kernel: kernel.16.cloned.1.call-start
scs
__scs_entry_jumppad:
0x0: {  	(pc) =	sbr.rel $0x88, $3  }
0x1: {  	(tag) =	ssettag $0x0;
	lr =	simm.s32 $0x1  }
0x2: {  	[smem:$0x3F97] =	sst lr;
	_ =	strace $0xD0000000  }
0x3: {  	_ = 	snop  }
0x4: {  	_ = 	snop  }
0x5: {  	_ = 	snop  }
0x6: {  	_ = 	snop  }
0x7: {  	_ = 	snop  }
__scs_overlays_trampoline_lowered:
0x8: {  	[smem:$0x3FA6] =	sst s0  }
0x9: {  	[smem:$0x3FA7] =	sst s1  }
0xa: {  	[smem:$0x3FA8] =	sst s2  }
0xb: {  	[smem:$0x3FA9] =	sst s3  }
0xc: {  	[smem:$0x3FAA] =	sst s4  }
0xd: {  	[smem:$0x3FAB] =	sst s5  }
0xe: {  	[smem:$0x3FAC] =	sst s6  }
0xf: {  	[smem:$0x3FAD] =	sst s7  }
0x10: {  	[smem:$0x3FAE] =	sst s8  }
0x11: {  	[smem:$0x3FAF] =	sst s9;
	s0 =	simm.s32 @!p0 $0x0  }
0x12: {  	s1 =	sld [smem:$0x3F95];
	s0 =	simm.s32 @p0 $0x1  }
0x13: {  	[smem:$0x3FB0] =	sst s0;
	s0 =	simm.s32 @!p1 $0x0  }
0x14: {  	s2 =	sld [smem:$0x3F94];
	s0 =	simm.s32 @p1 $0x1  }
0x15: {  	[smem:$0x3FB1] =	sst s0;
	s0 =	simm.s32 @!p2 $0x0  }
0x16: {  	s3 =	sld [smem:$0x3FDB];
	s0 =	simm.s32 @p2 $0x1  }
0x17: {  	s4 =	simm.s32 $0x1BF5;
	[smem:$0x3FB3] =	sst s0  }
0x18: {  	s0 =	sld [smem:$0x3F96];
	_ =	swait.ge [sflag:s4], $0x0  }
0x19: {  	s7 =	sld [smem:$0x3F97]  }
0x1a: {  	s8 =	sadd.s32 $0xFFFFE003, lr  }
0x1b: {  	s9 =	sadd.s32 $0xFFFFFEF7, lr;
	s5 =	simm.s32 $0xFFFFFFFF;
	p2 =	slt.u32 s8, $0xFFFFF086  }
0x1c: {  	p1 =	slt.u32 s9, $0xF7A;
	s5 =	simm.s32 @!p2 $0x0  }
0x1d: {  	s5 =	simm.s32 @p1 $0x1;
	p0 =	seq.s32 s7, s2  }
0x1e: {  	s7 =	smul.u32 @!p0 $0xF7A, s2;
	p2 =	seq.s32 @!p0 s5, $0x0  }
0x1f: {  	s9 =	smul.u32 $0xF7A, s1;
	s8 =	simm.s32 @!p0 $0x1BF5;
	p2 =	por !p2, p0  }
0x20: {  	[sflag:s8] =	ssyncset.s32 @!p0 $0xFFFFF086;
	s6 =	sadd.s32 @!p0 s3, s7;
	s7 =	simm.s32 @!p0 $0x108  }
0x21: {  	s3 =	sadd.s32 s3, s9;
	s6 =	sadd.s32 @!p0 $0x88, s6;
	s7 =	simm.s32 @p2 $0x1082  }
0x22: {  	[simem:s7], [sflag:s8] =	dma.local @!p0 [hbm:s6], $0xF7A  }
0x23: {  	s9 =	sor.u32 $0xD0000000, s2;
	s6 =	simm.s32 $0x108;
	_ =	swait.ge @!p0 [sflag:s8], $0x0  }
0x24: {  	s3 =	sadd.s32 $0x88, s3;
	s6 =	simm.s32 @!p1 $0x1082;
	[sflag:s4] =	ssyncset.s32 $0xFFFFF086  }
0x25: {  	[simem:s6], [sflag:s4] =	dma.local [hbm:s3], $0xF7A  }
0x26: {  	[smem:$0x3F97] =	sst s1;
	(tag) =	ssettag s2;
	_ =	strace s9  }
0x27: {  	s1 =	sld [smem:$0x3FA7]  }
0x28: {  	s2 =	sld [smem:$0x3FA8]  }
0x29: {  	s4 =	sld [smem:$0x3FAA]  }
0x2a: {  	p0 =	seq.s32 s5, $0x0;
	s5 =	sld [smem:$0x3FAB]  }
0x2b: {  	s6 =	sld [smem:$0x3FAC]  }
0x2c: {  	s7 =	sld [smem:$0x3FAD]  }
0x2d: {  	s3 =	simm.s32 $0x108;
	s8 =	sld [smem:$0x3FAE]  }
0x2e: {  	s3 =	simm.s32 @!p0 $0x1082;
	s9 =	sld [smem:$0x3FAF]  }
0x2f: {  	lr =	sadd.s32 s0, s3;
	s0 =	sld [smem:$0x3FA6]  }
0x30: {  	s3 =	sld [smem:$0x3FA9]  }
0x31: {  	[smem:$0x3FB2] =	sst s10  }
0x32: {  	s10 =	sld [smem:$0x3FB0];
	_ =	sdelay $0x3  }
0x33: {  	p0 =	seq.s32 s10, $0x1;
	s10 =	sld [smem:$0x3FB2];
	_ =	sdelay $0x3  }
0x34: {  	[smem:$0x3FB2] =	sst s10  }
0x35: {  	s10 =	sld [smem:$0x3FB1];
	_ =	sdelay $0x3  }
0x36: {  	p1 =	seq.s32 s10, $0x1;
	s10 =	sld [smem:$0x3FB2];
	_ =	sdelay $0x3  }
0x37: {  	[smem:$0x3FB2] =	sst s10  }
0x38: {  	s10 =	sld [smem:$0x3FB3]  }
0x39: {  	_ = 	snop;
	(pc) =	sbr.ind lr, $3  }
0x3a: {  	_ = 	snop  }
0x3b: {  	_ = 	snop  }
0x3c: {  	p2 =	seq.s32 s10, $0x1;
	s10 =	sld [smem:$0x3FB2]  }
0x3d: {  	_ =	shalt  }
0x3e: {  	_ =	shalt  }
0x3f: {  	_ =	shalt  }
0x40: {  	_ =	shalt  }
0x41: {  	_ =	shalt  }
0x42: {  	_ =	shalt  }
0x43: {  	_ =	shalt  }
0x44: {  	_ =	shalt  }
0x45: {  	_ =	shalt  }
0x46: {  	_ =	shalt  }
0x47: {  	_ =	shalt  }
0x48: {  	_ =	shalt  }
0x49: {  	_ =	shalt  }
0x4a: {  	_ =	shalt  }
0x4b: {  	_ =	shalt  }
0x4c: {  	_ =	shalt  }
0x4d: {  	_ =	shalt  }
0x4e: {  	_ =	shalt  }
0x4f: {  	_ =	shalt  }
0x50: {  	_ =	shalt  }
0x51: {  	_ =	shalt  }
0x52: {  	_ =	shalt  }
0x53: {  	_ =	shalt  }
0x54: {  	_ =	shalt  }
0x55: {  	_ =	shalt  }
0x56: {  	_ =	shalt  }
0x57: {  	_ =	shalt  }
0x58: {  	_ =	shalt  }
0x59: {  	_ =	shalt  }
0x5a: {  	_ =	shalt  }
0x5b: {  	_ =	shalt  }
0x5c: {  	_ =	shalt  }
0x5d: {  	_ =	shalt  }
0x5e: {  	_ =	shalt  }
0x5f: {  	_ =	shalt  }
0x60: {  	_ =	shalt  }
0x61: {  	_ =	shalt  }
0x62: {  	_ =	shalt  }
0x63: {  	_ =	shalt  }
0x64: {  	_ =	shalt  }
0x65: {  	_ =	shalt  }
0x66: {  	_ =	shalt  }
0x67: {  	_ =	shalt  }
0x68: {  	_ =	shalt  }
0x69: {  	_ =	shalt  }
0x6a: {  	_ =	shalt  }
0x6b: {  	_ =	shalt  }
0x6c: {  	_ =	shalt  }
0x6d: {  	_ =	shalt  }
0x6e: {  	_ =	shalt  }
0x6f: {  	_ =	shalt  }
0x70: {  	_ =	shalt  }
0x71: {  	_ =	shalt  }
0x72: {  	_ =	shalt  }
0x73: {  	_ =	shalt  }
0x74: {  	_ =	shalt  }
0x75: {  	_ =	shalt  }
0x76: {  	_ =	shalt  }
0x77: {  	_ =	shalt  }
0x78: {  	_ =	shalt  }
0x79: {  	_ =	shalt  }
0x7a: {  	_ =	shalt  }
0x7b: {  	_ =	shalt  }
0x7c: {  	_ =	shalt  }
0x7d: {  	_ =	shalt  }
0x7e: {  	_ =	shalt  }
0x7f: {  	_ =	shalt  }
0x80: {  	_ =	shalt  }
0x81: {  	_ =	shalt  }
0x82: {  	_ =	shalt  }
0x83: {  	_ =	shalt  }
0x84: {  	_ =	shalt  }
0x85: {  	_ =	shalt  }
0x86: {  	_ =	shalt  }
0x87: {  	_ =	shalt  }
.Lfunc_end0:
.L_simem_size_0:
called_computation.2_lowered:
.L_overlay_start_0:
0x88: {  	s2 =	sld [smem:$0x3FD9]  }
0x89: {  	s3 =	sld [smem:$0x3FFE];
	_ =	sdelay $0x1  }
0x8a: {  	s1 =	srdreg.scid  }
0x8b: {  	s0 =	sand.u32 $0x1, s1  }
0x8c: {  	s16 =	sshll.u32 s0, $0xA;
	s2 =	sadd.s32 s3, s2  }
0x8d: {  	s2 =	sadd.s32 s2, s16  }
0x8e: {  	[smem:$0x3FBE] =	sst s2  }
0x8f: {  	_ = 	snop  }
0x90: {  	(tm) =	ssettm $0x1  }
0x91: {  	s17 =	sld [smem:$0x3FFB];
	_ =	sdelay $0x3  }
0x92: {  	_ =	strace s17  }
0x93: {  	s2 =	sld [smem:$0x3FFC];
	_ =	sdelay $0x3  }
0x94: {  	_ =	strace s2  }
0x95: {  	s2 =	sld [smem:$0x3FFD];
	_ =	sdelay $0x3  }
0x96: {  	_ =	strace s2  }
0x97: {  	_ =	strace $0x8FFFFFFF  }
0x98: {  	s18 =	sld [smem:$0x3FDB];
	_ =	sdelay $0x1  }
0x99: {  	s19 =	simm.s32 $_scs_section_size  }
0x9a: {  	s4 =	simm.s32 $_size__tile_overlayer_lowered;
	s5 =	simm.s32 $_tile_overlayer_lowered  }
0x9b: {  	s22 =	simm.s32 $0x1BFF;
	s21 =	sshll.u32 s5, $0x1;
	s2 =	sadd.s32 s19, s18  }
0x9c: {  	s6 =	simm.s32 $0x0;
	s20 =	sshll.u32 s4, $0x1;
	s4 =	sadd.s32 s21, s2  }
0x9d: {  	[timem:s6], [sflag:s22] =	dma.local [hbm:s4], s20  }
0x9e: {  	_ =	swait.ge [sflag:s22], s20  }
0x9f: {  	s3 =	ssub.s32 $0x0, s20;
	[sflag:s22] =	ssyncset.done $0x0  }
0xa0: {  	[sflag:s22] =	ssyncadd.s32 s3;
	_ =	sdelay $0x1  }
0xa1: {  	s23 =	simm.s32 $0x1B8B  }
0xa2: {  	_ =	swait.ge [sflag:s23], $0x1  }
0xa3: {  	[sflag:s23] =	ssyncset.done $0x0  }
0xa4: {  	s25 =	simm.s32 $0x1B8E;
	s24 =	sld [smem:$0x3FFE];
	[sflag:s23] =	ssyncadd.s32 $0xFFFFFFFF  }
0xa5: {  	s26 =	simm.s32 $execute0_lowered;
	[smem:$0x3FD2] =	sst s25  }
0xa6: {  	s4 =	sshll.u32 s26, $0x1;
	_ =	strace $0x8000004C;
	[dreg:$0x1] =	wrdreg $0xFFFFFFFF  }
0xa7: {  	s28 =	simm.s32 $_size_execute0_lowered;
	s2 =	sadd.s32 s2, s4;
	[dreg:$0x0] =	wrdreg $0x0  }
0xa8: {  	s4 =	sshll.u32 s28, $0x1;
	[dreg:$0x2] =	wrdreg s2  }
0xa9: {  	[dreg:$0x3] =	wrdreg s4  }
0xaa: {  	[dreg:$0x4] =	wrdreg $0xC0  }
0xab: {  	_ =	task [dreg:s6], $0x5FFFF  }
0xac: {  	[dreg:$0x1] =	wrdreg $0xFFFFFFFF  }
0xad: {  	[dreg:$0x0] =	wrdreg $0x60  }
0xae: {  	[dreg:$0x2] =	wrdreg s24  }
0xaf: {  	[dreg:$0x3] =	wrdreg $0x0  }
0xb0: {  	[dreg:$0x4] =	wrdreg $0x9  }
0xb1: {  	_ =	task.clear_ibuf [dreg:s6], $0x5FFFF;
	_ =	strace $0x9000004C  }
0xb2: {  	s29 =	simm.s32 $0x9;
	_ =	strace $0x8000004E  }
0xb3: {  	_ =	swait.ge [sflag:s29], $0x1  }
0xb4: {  	[sflag:s29] =	ssyncadd.s32 $0xFFFFFFFF  }
0xb5: {  	_ =	strace $0x9000004E  }
0xb6: {  	_ =	sfence  }
0xb7: {  	s30 =	sld [smem:$0x0];
	_ =	sdelay $0x2  }
0xb8: {  	s31 =	sshll.u32 s1, $0xD;
	s1 =	sshrl.u32 s1, $0x2  }
0xb9: {  	s3 =	sand.u32 $0x4000, s31;
	s1 =	sadd.s32 s1, s30  }
0xba: {  	s0 =	sor.u32 s3, s0;
	s1 =	sshll.u32 s1, $0x11  }
0xbb: {  	s0 =	sor.u32 s1, s0  }
0xbc: {  	s0 =	sadd.s32 $0x8F2B, s0  }
0xbd: {  	[sflag:s0] =	ssyncadd.remote.s32 $0x1  }
0xbe: {  	_ =	sfence.sel $0xFFFF  }
0xbf: {  	[dreg:$0x0] =	wrdreg $0xFFFFFFFF;
	(pc) =	sbr.abs _section_cstart, $3  }
0xc0: {  	[dreg:$0x1] =	wrdreg $0xFFFFFFFF  }
0xc1: {  	_ =	task.clear_ibuf [dreg:s6], $0x2FFFF;
	_ =	strace $0x9FFFFFFF  }
0xc2: {  	(tm) =	ssettm $0x7FFFFFFF  }
0xc3: {  	_ =	shalt  }
tec
execute0_lowered:
.L_overlay_start_1:
0x0: {  	(tag) =	ssettag $0x1  }
0x1: {  	s0 =	rddreg [dreg:$0x0]  }
0x2: {  	s1 =	rddreg [dreg:$0x1];
	s12 =	stileid.u32  }
0x3: {  	s3 =	srdreg.scid;
	s2 =	simm.s32 $0x0;
	s13 =	simm.s32 $0x16800  }
0x4: {  	s14 =	simm.s32 $0x80;
	s15 =	simm.s32 $0x17000;
	s16 =	simm.s32 $0x1  }
0x5: {  	s17 =	simm.s32 $0x16080;
	s18 =	simm.s32 $0x16100;
	s19 =	simm.s32 $0x16180  }
0x6: {  	s20 =	simm.s32 $0x16200;
	s21 =	simm.s32 $0x16280;
	s4 =	smul.u32 $0x500, s12  }
0x7: {  	s28 =	simm.s32 $0x16500;
	s29 =	simm.s32 $0x16580;
	s6 =	smul.u32 $0x2800, s12  }
0x8: {  	s30 =	simm.s32 $0x16600;
	s31 =	simm.s32 $0x16680;
	s22 =	smul.u32 $0x14000, s12  }
0x9: {  	s5 =	sand.u32 $0x1, s3;
	[smem:$0x7FF] =	sst s2;
	s9 =	smul.u32 $0x16000, s12  }
0xa: {  	s3 =	sadd.s32 $0x6E00, s0;
	s26 =	sshll.u32 s12, $0x6;
	s7 =	smul.u32 $0x28000, s5  }
0xb: {  	s12 =	simm.s32 $0x16000;
	_ =	strace $0x8000004D;
	s8 =	smul.u32 $0x140000, s5  }
0xc: {  	s5 =	ssub.s32 $0x2, s5;
	s4 =	sadd.s32 s4, s0;
	s10 =	sshrl.u32 s9, $0x3  }
0xd: {  	s11 =	sshrl.u32 s5, $0x1;
	s24 =	sadd.s32 s9, s1;
	s6 =	sadd.s32 s7, s6  }
0xe: {  	s8 =	sadd.s32 s22, s8;
	s10 =	sadd.s32 s10, s0;
	s23 =	ssub.s32 s5, s11  }
0xf: {  	s7 =	sadd.s32 s22, s1;
	s9 =	sadd.s32 $0x1E00, s4;
	s11 =	simm.s32 $0x2  }
0x10: {  	s22 =	simm.s32 $0x16300;
	s1 =	simm.s32 $0x16780;
	s4 =	simm.s32 $0x0  }
0x11: {  	s6 =	sshrl.u32 s6, $0x3;
	s8 =	sshrl.u32 s8, $0x3;
	s25 =	sadd.s32 $0x56E00, s10  }
0x12: {  	s10 =	sor.u32 $0x1C02, s26;
	s26 =	sshrl.u32 s24, $0x3;
	[dreg:$0x3] =	wrdreg s25  }
0x13: {  	s24 =	simm.s32 $0x16400;
	s6 =	sadd.s32 s6, s0;
	[dreg:$0x7] =	wrdreg s26  }
0x14: {  	s0 =	sadd.s32 s8, s0;
	s25 =	smax.u32 s23, $0x1;
	[dreg:$0x4] =	wrdreg s10  }
0x15: {  	s23 =	simm.s32 $0x16380;
	s0 =	sadd.s32 $0x82E00, s0;
	[dreg:$0x6] =	wrdreg s25  }
0x16: {  	s26 =	simm.s32 $0x16480;
	[dreg:$0x5] =	wrdreg s0;
	s0 =	sshrl.u32 s7, $0x3  }
0x17: {  	s8 =	sadd.s32 $0x101600, s6;
	[dreg:$0x8] =	wrdreg s0;
	s0 =	simm.s32 $0x16700  }
.LBB2_1:
0x18: {  	s5 =	rddreg [dreg:$0x3]  }
0x19: {  	s6 =	rddreg [dreg:$0x7]  }
0x1a: {  	[spmem:s6], [sflag:s10] =	dma.local [hbm:s5], $0x2C00  }
0x1b: {  	_ =	swait.ge [sflag:s11], $0x2C00  }
0x1c: {  	[sflag:s11] =	ssyncset.done $0x0  }
0x1d: {  	[sflag:s11] =	ssyncadd.s32 $0xFFFFD400  }
0x1e: {  	s10 =	sadd.s32 $0x0, s9;
	[bflag:$0x0] =	sbarrier.arrive $0xFFFF  }
0x1f: {  	[tilespmem:s12], [sflag:$0x2] =	stream.linear.gather [hbm4b:s10+s2], $0x800, $0x38;
	[tilespmem:$0x1F000] =	vst v63  }
0x20: {  	_ =	swait.ge [sflag:s11], $0x800  }
0x21: {  	[sflag:s11] =	ssyncset.done $0x0  }
0x22: {  	s25 =	sadd.s32 $0x0, s8;
	[sflag:s11] =	ssyncadd.s32 $0xFFFFF800  }
0x23: {  	[tilespmem:s13], [sflag:$0x2] =	stream.linear.gather [hbm4b:s25+s2], $0x800, $0x38;
	[tilespmem:$0x1F000] =	vst v63  }
0x24: {  	_ =	swait.ge [sflag:s11], $0x800  }
0x25: {  	[sflag:s11] =	ssyncset.done $0x0  }
0x26: {  	[sflag:s11] =	ssyncadd.s32 $0xFFFFF800  }
0x27: {  	[tilespmem:s15], [sflag:$0x1] =	stream.indirect.gather [hbm4b:s3+s14], $0x100, s12, s14, $0xb8;
	[tilespmem:$0x1F000] =	vst v63  }
0x28: {  	_ =	swait.ge [sflag:s16], $0x8000  }
0x29: {  	[sflag:s16] =	ssyncset.done $0x0  }
0x2a: {  	[sflag:s16] =	ssyncadd.s32 $0xFFFF8000  }
0x2b: {  	[tilespmem:s15], [sflag:$0x1] =	stream.indirect.gather [hbm4b:s3+s14], $0x100, s17, s14, $0xb8;
	[tilespmem:$0x1F000] =	vst v63  }
0x2c: {  	_ =	swait.ge [sflag:s16], $0x8000  }
0x2d: {  	[sflag:s16] =	ssyncset.done $0x0  }
0x2e: {  	[sflag:s16] =	ssyncadd.s32 $0xFFFF8000  }
0x2f: {  	[tilespmem:s15], [sflag:$0x1] =	stream.indirect.gather [hbm4b:s3+s14], $0x100, s18, s14, $0xb8;
	[tilespmem:$0x1F000] =	vst v63  }
0x30: {  	_ =	swait.ge [sflag:s16], $0x8000  }
0x31: {  	[sflag:s16] =	ssyncset.done $0x0  }
0x32: {  	[sflag:s16] =	ssyncadd.s32 $0xFFFF8000  }
0x33: {  	[tilespmem:s15], [sflag:$0x1] =	stream.indirect.gather [hbm4b:s3+s14], $0x100, s19, s14, $0xb8;
	[tilespmem:$0x1F000] =	vst v63  }
0x34: {  	_ =	swait.ge [sflag:s16], $0x8000  }
0x35: {  	[sflag:s16] =	ssyncset.done $0x0  }
0x36: {  	[sflag:s16] =	ssyncadd.s32 $0xFFFF8000  }
0x37: {  	[tilespmem:s15], [sflag:$0x1] =	stream.indirect.gather [hbm4b:s3+s14], $0x100, s20, s14, $0xb8;
	[tilespmem:$0x1F000] =	vst v63  }
0x38: {  	_ =	swait.ge [sflag:s16], $0x8000  }
0x39: {  	[sflag:s16] =	ssyncset.done $0x0  }
0x3a: {  	[sflag:s16] =	ssyncadd.s32 $0xFFFF8000  }
0x3b: {  	[tilespmem:s15], [sflag:$0x1] =	stream.indirect.gather [hbm4b:s3+s14], $0x100, s21, s14, $0xb8;
	[tilespmem:$0x1F000] =	vst v63  }
0x3c: {  	_ =	swait.ge [sflag:s16], $0x8000  }
0x3d: {  	[sflag:s16] =	ssyncset.done $0x0  }
0x3e: {  	[sflag:s16] =	ssyncadd.s32 $0xFFFF8000  }
0x3f: {  	[tilespmem:s15], [sflag:$0x1] =	stream.indirect.gather [hbm4b:s3+s14], $0x100, s22, s14, $0xb8;
	[tilespmem:$0x1F000] =	vst v63  }
0x40: {  	_ =	swait.ge [sflag:s16], $0x8000  }
0x41: {  	[sflag:s16] =	ssyncset.done $0x0  }
0x42: {  	[sflag:s16] =	ssyncadd.s32 $0xFFFF8000  }
0x43: {  	[tilespmem:s15], [sflag:$0x1] =	stream.indirect.gather [hbm4b:s3+s14], $0x100, s23, s14, $0xb8;
	[tilespmem:$0x1F000] =	vst v63  }
0x44: {  	_ =	swait.ge [sflag:s16], $0x8000  }
0x45: {  	[sflag:s16] =	ssyncset.done $0x0  }
0x46: {  	[sflag:s16] =	ssyncadd.s32 $0xFFFF8000  }
0x47: {  	[tilespmem:s15], [sflag:$0x1] =	stream.indirect.gather [hbm4b:s3+s14], $0x100, s24, s14, $0xb8;
	[tilespmem:$0x1F000] =	vst v63  }
0x48: {  	_ =	swait.ge [sflag:s16], $0x8000  }
0x49: {  	[sflag:s16] =	ssyncset.done $0x0  }
0x4a: {  	[sflag:s16] =	ssyncadd.s32 $0xFFFF8000  }
0x4b: {  	[tilespmem:s15], [sflag:$0x1] =	stream.indirect.gather [hbm4b:s3+s14], $0x100, s26, s14, $0xb8;
	[tilespmem:$0x1F000] =	vst v63  }
0x4c: {  	_ =	swait.ge [sflag:s16], $0x8000  }
0x4d: {  	[sflag:s16] =	ssyncset.done $0x0  }
0x4e: {  	[sflag:s16] =	ssyncadd.s32 $0xFFFF8000  }
0x4f: {  	[tilespmem:s15], [sflag:$0x1] =	stream.indirect.gather [hbm4b:s3+s14], $0x100, s28, s14, $0xb8;
	[tilespmem:$0x1F000] =	vst v63  }
0x50: {  	_ =	swait.ge [sflag:s16], $0x8000  }
0x51: {  	[sflag:s16] =	ssyncset.done $0x0  }
0x52: {  	[sflag:s16] =	ssyncadd.s32 $0xFFFF8000  }
0x53: {  	[tilespmem:s15], [sflag:$0x1] =	stream.indirect.gather [hbm4b:s3+s14], $0x100, s29, s14, $0xb8;
	[tilespmem:$0x1F000] =	vst v63  }
0x54: {  	_ =	swait.ge [sflag:s16], $0x8000  }
0x55: {  	[sflag:s16] =	ssyncset.done $0x0  }
0x56: {  	[sflag:s16] =	ssyncadd.s32 $0xFFFF8000  }
0x57: {  	[tilespmem:s15], [sflag:$0x1] =	stream.indirect.gather [hbm4b:s3+s14], $0x100, s30, s14, $0xb8;
	[tilespmem:$0x1F000] =	vst v63  }
0x58: {  	_ =	swait.ge [sflag:s16], $0x8000  }
0x59: {  	[sflag:s16] =	ssyncset.done $0x0  }
0x5a: {  	[sflag:s16] =	ssyncadd.s32 $0xFFFF8000  }
0x5b: {  	[tilespmem:s15], [sflag:$0x1] =	stream.indirect.gather [hbm4b:s3+s14], $0x100, s31, s14, $0xb8;
	[tilespmem:$0x1F000] =	vst v63  }
0x5c: {  	_ =	swait.ge [sflag:s16], $0x8000  }
0x5d: {  	[sflag:s16] =	ssyncset.done $0x0  }
0x5e: {  	[sflag:s16] =	ssyncadd.s32 $0xFFFF8000  }
0x5f: {  	[tilespmem:s15], [sflag:$0x1] =	stream.indirect.gather [hbm4b:s3+s14], $0x100, s0, s14, $0xb8;
	[tilespmem:$0x1F000] =	vst v63  }
0x60: {  	_ =	swait.ge [sflag:s16], $0x8000  }
0x61: {  	[sflag:s16] =	ssyncset.done $0x0  }
0x62: {  	[sflag:s16] =	ssyncadd.s32 $0xFFFF8000  }
0x63: {  	[tilespmem:s15], [sflag:$0x1] =	stream.indirect.gather [hbm4b:s3+s14], $0x100, s1, s14, $0xb8;
	[tilespmem:$0x1F000] =	vst v63  }
0x64: {  	_ =	swait.ge [sflag:s16], $0x8000  }
0x65: {  	s7 =	simm.s32 $0x200;
	s6 =	simm.s32 $0x100;
	[sflag:s16] =	ssyncset.done $0x0  }
.LBB2_2:
0x66: {  	s25 =	sadd.s32 s6, s9  }
0x67: {  	[sflag:s16] =	ssyncadd.s32 $0xFFFF8000;
	s5 =	smov.u32 s7;
	s10 =	sadd.s32 $0x100, s7  }
0x68: {  	[tilespmem:s12], [sflag:$0x2] =	stream.linear.gather [hbm4b:s25+s2], $0x800, $0x38;
	[tilespmem:$0x1F000] =	vst v63  }
0x69: {  	p0 =	sne.s32 s7, $0x400;
	_ =	swait.ge [sflag:s11], $0x800  }
0x6a: {  	[sflag:s11] =	ssyncset.done $0x0  }
0x6b: {  	s7 =	sadd.s32 s6, s8;
	s6 =	smov.u32 s5;
	[sflag:s11] =	ssyncadd.s32 $0xFFFFF800  }
0x6c: {  	[tilespmem:s13], [sflag:$0x2] =	stream.linear.gather [hbm4b:s7+s2], $0x800, $0x38;
	[tilespmem:$0x1F000] =	vst v63  }
0x6d: {  	_ =	swait.ge [sflag:s11], $0x800  }
0x6e: {  	[sflag:s11] =	ssyncset.done $0x0  }
0x6f: {  	[sflag:s11] =	ssyncadd.s32 $0xFFFFF800  }
0x70: {  	[tilespmem:s15], [sflag:$0x1] =	stream.indirect.gather [hbm4b:s3+s14], $0x100, s12, s14, $0xb8;
	[tilespmem:$0x1F000] =	vst v63  }
0x71: {  	_ =	swait.ge [sflag:s16], $0x8000  }
0x72: {  	[sflag:s16] =	ssyncset.done $0x0  }
0x73: {  	[sflag:s16] =	ssyncadd.s32 $0xFFFF8000  }
0x74: {  	[tilespmem:s15], [sflag:$0x1] =	stream.indirect.gather [hbm4b:s3+s14], $0x100, s17, s14, $0xb8;
	[tilespmem:$0x1F000] =	vst v63  }
0x75: {  	_ =	swait.ge [sflag:s16], $0x8000  }
0x76: {  	[sflag:s16] =	ssyncset.done $0x0  }
0x77: {  	[sflag:s16] =	ssyncadd.s32 $0xFFFF8000  }
0x78: {  	[tilespmem:s15], [sflag:$0x1] =	stream.indirect.gather [hbm4b:s3+s14], $0x100, s18, s14, $0xb8;
	[tilespmem:$0x1F000] =	vst v63  }
0x79: {  	_ =	swait.ge [sflag:s16], $0x8000  }
0x7a: {  	[sflag:s16] =	ssyncset.done $0x0  }
0x7b: {  	[sflag:s16] =	ssyncadd.s32 $0xFFFF8000  }
0x7c: {  	[tilespmem:s15], [sflag:$0x1] =	stream.indirect.gather [hbm4b:s3+s14], $0x100, s19, s14, $0xb8;
	[tilespmem:$0x1F000] =	vst v63  }
0x7d: {  	_ =	swait.ge [sflag:s16], $0x8000  }
0x7e: {  	[sflag:s16] =	ssyncset.done $0x0  }
0x7f: {  	[sflag:s16] =	ssyncadd.s32 $0xFFFF8000  }
0x80: {  	[tilespmem:s15], [sflag:$0x1] =	stream.indirect.gather [hbm4b:s3+s14], $0x100, s20, s14, $0xb8;
	[tilespmem:$0x1F000] =	vst v63  }
0x81: {  	_ =	swait.ge [sflag:s16], $0x8000  }
0x82: {  	[sflag:s16] =	ssyncset.done $0x0  }
0x83: {  	[sflag:s16] =	ssyncadd.s32 $0xFFFF8000  }
0x84: {  	[tilespmem:s15], [sflag:$0x1] =	stream.indirect.gather [hbm4b:s3+s14], $0x100, s21, s14, $0xb8;
	[tilespmem:$0x1F000] =	vst v63  }
0x85: {  	_ =	swait.ge [sflag:s16], $0x8000  }
0x86: {  	[sflag:s16] =	ssyncset.done $0x0  }
0x87: {  	[sflag:s16] =	ssyncadd.s32 $0xFFFF8000  }
0x88: {  	[tilespmem:s15], [sflag:$0x1] =	stream.indirect.gather [hbm4b:s3+s14], $0x100, s22, s14, $0xb8;
	[tilespmem:$0x1F000] =	vst v63  }
0x89: {  	_ =	swait.ge [sflag:s16], $0x8000  }
0x8a: {  	[sflag:s16] =	ssyncset.done $0x0  }
0x8b: {  	[sflag:s16] =	ssyncadd.s32 $0xFFFF8000  }
0x8c: {  	[tilespmem:s15], [sflag:$0x1] =	stream.indirect.gather [hbm4b:s3+s14], $0x100, s23, s14, $0xb8;
	[tilespmem:$0x1F000] =	vst v63  }
0x8d: {  	_ =	swait.ge [sflag:s16], $0x8000  }
0x8e: {  	[sflag:s16] =	ssyncset.done $0x0  }
0x8f: {  	[sflag:s16] =	ssyncadd.s32 $0xFFFF8000  }
0x90: {  	[tilespmem:s15], [sflag:$0x1] =	stream.indirect.gather [hbm4b:s3+s14], $0x100, s24, s14, $0xb8;
	[tilespmem:$0x1F000] =	vst v63  }
0x91: {  	_ =	swait.ge [sflag:s16], $0x8000  }
0x92: {  	[sflag:s16] =	ssyncset.done $0x0  }
0x93: {  	[sflag:s16] =	ssyncadd.s32 $0xFFFF8000  }
0x94: {  	[tilespmem:s15], [sflag:$0x1] =	stream.indirect.gather [hbm4b:s3+s14], $0x100, s26, s14, $0xb8;
	[tilespmem:$0x1F000] =	vst v63  }
0x95: {  	_ =	swait.ge [sflag:s16], $0x8000  }
0x96: {  	[sflag:s16] =	ssyncset.done $0x0  }
0x97: {  	[sflag:s16] =	ssyncadd.s32 $0xFFFF8000  }
0x98: {  	[tilespmem:s15], [sflag:$0x1] =	stream.indirect.gather [hbm4b:s3+s14], $0x100, s28, s14, $0xb8;
	[tilespmem:$0x1F000] =	vst v63  }
0x99: {  	_ =	swait.ge [sflag:s16], $0x8000  }
0x9a: {  	[sflag:s16] =	ssyncset.done $0x0  }
0x9b: {  	[sflag:s16] =	ssyncadd.s32 $0xFFFF8000  }
0x9c: {  	[tilespmem:s15], [sflag:$0x1] =	stream.indirect.gather [hbm4b:s3+s14], $0x100, s29, s14, $0xb8;
	[tilespmem:$0x1F000] =	vst v63  }
0x9d: {  	_ =	swait.ge [sflag:s16], $0x8000  }
0x9e: {  	[sflag:s16] =	ssyncset.done $0x0  }
0x9f: {  	[sflag:s16] =	ssyncadd.s32 $0xFFFF8000  }
0xa0: {  	[tilespmem:s15], [sflag:$0x1] =	stream.indirect.gather [hbm4b:s3+s14], $0x100, s30, s14, $0xb8;
	[tilespmem:$0x1F000] =	vst v63  }
0xa1: {  	_ =	swait.ge [sflag:s16], $0x8000  }
0xa2: {  	[sflag:s16] =	ssyncset.done $0x0  }
0xa3: {  	[sflag:s16] =	ssyncadd.s32 $0xFFFF8000  }
0xa4: {  	[tilespmem:s15], [sflag:$0x1] =	stream.indirect.gather [hbm4b:s3+s14], $0x100, s31, s14, $0xb8;
	[tilespmem:$0x1F000] =	vst v63  }
0xa5: {  	_ =	swait.ge [sflag:s16], $0x8000  }
0xa6: {  	[sflag:s16] =	ssyncset.done $0x0  }
0xa7: {  	[sflag:s16] =	ssyncadd.s32 $0xFFFF8000  }
0xa8: {  	[tilespmem:s15], [sflag:$0x1] =	stream.indirect.gather [hbm4b:s3+s14], $0x100, s0, s14, $0xb8;
	[tilespmem:$0x1F000] =	vst v63  }
0xa9: {  	_ =	swait.ge [sflag:s16], $0x8000  }
.Ltmp0:
0xaa: {  	[sflag:s16] =	ssyncset.done $0x0;
	(pc) =	sbr.rel @p0 .LBB2_2-.Ltmp0, $4  }
0xab: {  	[sflag:s16] =	ssyncadd.s32 $0xFFFF8000  }
0xac: {  	[tilespmem:s15], [sflag:$0x1] =	stream.indirect.gather [hbm4b:s3+s14], $0x100, s1, s14, $0xb8;
	[tilespmem:$0x1F000] =	vst v63  }
0xad: {  	_ =	swait.ge [sflag:s16], $0x8000  }
0xae: {  	s7 =	smov.u32 s10;
	[sflag:s16] =	ssyncset.done $0x0  }
0xaf: {  	s5 =	sadd.s32 s6, s9;
	[sflag:s16] =	ssyncadd.s32 $0xFFFF8000  }
0xb0: {  	[tilespmem:s12], [sflag:$0x2] =	stream.linear.gather [hbm4b:s5+s2], $0x800, $0x38;
	[tilespmem:$0x1F000] =	vst v63  }
0xb1: {  	_ =	swait.ge [sflag:s11], $0x800  }
0xb2: {  	[sflag:s11] =	ssyncset.done $0x0  }
0xb3: {  	s25 =	sadd.s32 s6, s8;
	[sflag:s11] =	ssyncadd.s32 $0xFFFFF800  }
0xb4: {  	[tilespmem:s13], [sflag:$0x2] =	stream.linear.gather [hbm4b:s25+s2], $0x800, $0x38;
	[tilespmem:$0x1F000] =	vst v63  }
0xb5: {  	_ =	swait.ge [sflag:s11], $0x800  }
0xb6: {  	[sflag:s11] =	ssyncset.done $0x0  }
0xb7: {  	[sflag:s11] =	ssyncadd.s32 $0xFFFFF800  }
0xb8: {  	[tilespmem:s15], [sflag:$0x1] =	stream.indirect.gather [hbm4b:s3+s14], $0x100, s12, s14, $0xb8;
	[tilespmem:$0x1F000] =	vst v63  }
0xb9: {  	_ =	swait.ge [sflag:s16], $0x8000  }
0xba: {  	[sflag:s16] =	ssyncset.done $0x0  }
0xbb: {  	[sflag:s16] =	ssyncadd.s32 $0xFFFF8000  }
0xbc: {  	[tilespmem:s15], [sflag:$0x1] =	stream.indirect.gather [hbm4b:s3+s14], $0x100, s17, s14, $0xb8;
	[tilespmem:$0x1F000] =	vst v63  }
0xbd: {  	_ =	swait.ge [sflag:s16], $0x8000  }
0xbe: {  	[sflag:s16] =	ssyncset.done $0x0  }
0xbf: {  	[sflag:s16] =	ssyncadd.s32 $0xFFFF8000  }
0xc0: {  	[tilespmem:s15], [sflag:$0x1] =	stream.indirect.gather [hbm4b:s3+s14], $0x100, s18, s14, $0xb8;
	[tilespmem:$0x1F000] =	vst v63  }
0xc1: {  	_ =	swait.ge [sflag:s16], $0x8000  }
0xc2: {  	[sflag:s16] =	ssyncset.done $0x0  }
0xc3: {  	[sflag:s16] =	ssyncadd.s32 $0xFFFF8000  }
0xc4: {  	[tilespmem:s15], [sflag:$0x1] =	stream.indirect.gather [hbm4b:s3+s14], $0x100, s19, s14, $0xb8;
	[tilespmem:$0x1F000] =	vst v63  }
0xc5: {  	_ =	swait.ge [sflag:s16], $0x8000  }
0xc6: {  	[sflag:s16] =	ssyncset.done $0x0  }
0xc7: {  	[sflag:s16] =	ssyncadd.s32 $0xFFFF8000  }
0xc8: {  	[tilespmem:s15], [sflag:$0x1] =	stream.indirect.gather [hbm4b:s3+s14], $0x100, s20, s14, $0xb8;
	[tilespmem:$0x1F000] =	vst v63  }
0xc9: {  	_ =	swait.ge [sflag:s16], $0x8000  }
0xca: {  	[sflag:s16] =	ssyncset.done $0x0  }
0xcb: {  	[sflag:s16] =	ssyncadd.s32 $0xFFFF8000  }
0xcc: {  	[tilespmem:s15], [sflag:$0x1] =	stream.indirect.gather [hbm4b:s3+s14], $0x100, s21, s14, $0xb8;
	[tilespmem:$0x1F000] =	vst v63  }
0xcd: {  	_ =	swait.ge [sflag:s16], $0x8000  }
0xce: {  	[sflag:s16] =	ssyncset.done $0x0  }
0xcf: {  	[sflag:s16] =	ssyncadd.s32 $0xFFFF8000  }
0xd0: {  	[tilespmem:s15], [sflag:$0x1] =	stream.indirect.gather [hbm4b:s3+s14], $0x100, s22, s14, $0xb8;
	[tilespmem:$0x1F000] =	vst v63  }
0xd1: {  	_ =	swait.ge [sflag:s16], $0x8000  }
0xd2: {  	[sflag:s16] =	ssyncset.done $0x0  }
0xd3: {  	[sflag:s16] =	ssyncadd.s32 $0xFFFF8000  }
0xd4: {  	[tilespmem:s15], [sflag:$0x1] =	stream.indirect.gather [hbm4b:s3+s14], $0x100, s23, s14, $0xb8;
	[tilespmem:$0x1F000] =	vst v63  }
0xd5: {  	_ =	swait.ge [sflag:s16], $0x8000  }
0xd6: {  	[sflag:s16] =	ssyncset.done $0x0  }
0xd7: {  	[sflag:s16] =	ssyncadd.s32 $0xFFFF8000  }
0xd8: {  	[tilespmem:s15], [sflag:$0x1] =	stream.indirect.gather [hbm4b:s3+s14], $0x100, s24, s14, $0xb8;
	[tilespmem:$0x1F000] =	vst v63  }
0xd9: {  	_ =	swait.ge [sflag:s16], $0x8000  }
0xda: {  	[sflag:s16] =	ssyncset.done $0x0  }
0xdb: {  	[sflag:s16] =	ssyncadd.s32 $0xFFFF8000  }
0xdc: {  	[tilespmem:s15], [sflag:$0x1] =	stream.indirect.gather [hbm4b:s3+s14], $0x100, s26, s14, $0xb8;
	[tilespmem:$0x1F000] =	vst v63  }
0xdd: {  	_ =	swait.ge [sflag:s16], $0x8000  }
0xde: {  	[sflag:s16] =	ssyncset.done $0x0  }
0xdf: {  	[sflag:s16] =	ssyncadd.s32 $0xFFFF8000  }
0xe0: {  	[tilespmem:s15], [sflag:$0x1] =	stream.indirect.gather [hbm4b:s3+s14], $0x100, s28, s14, $0xb8;
	[tilespmem:$0x1F000] =	vst v63  }
0xe1: {  	_ =	swait.ge [sflag:s16], $0x8000  }
0xe2: {  	[sflag:s16] =	ssyncset.done $0x0  }
0xe3: {  	[sflag:s16] =	ssyncadd.s32 $0xFFFF8000  }
0xe4: {  	[tilespmem:s15], [sflag:$0x1] =	stream.indirect.gather [hbm4b:s3+s14], $0x100, s29, s14, $0xb8;
	[tilespmem:$0x1F000] =	vst v63  }
0xe5: {  	_ =	swait.ge [sflag:s16], $0x8000  }
0xe6: {  	[sflag:s16] =	ssyncset.done $0x0  }
0xe7: {  	[sflag:s16] =	ssyncadd.s32 $0xFFFF8000  }
0xe8: {  	[tilespmem:s15], [sflag:$0x1] =	stream.indirect.gather [hbm4b:s3+s14], $0x100, s30, s14, $0xb8;
	[tilespmem:$0x1F000] =	vst v63  }
0xe9: {  	_ =	swait.ge [sflag:s16], $0x8000  }
0xea: {  	[sflag:s16] =	ssyncset.done $0x0  }
0xeb: {  	[sflag:s16] =	ssyncadd.s32 $0xFFFF8000  }
0xec: {  	[tilespmem:s15], [sflag:$0x1] =	stream.indirect.gather [hbm4b:s3+s14], $0x100, s31, s14, $0xb8;
	[tilespmem:$0x1F000] =	vst v63  }
0xed: {  	_ =	swait.ge [sflag:s16], $0x8000  }
0xee: {  	[sflag:s16] =	ssyncset.done $0x0  }
0xef: {  	[sflag:s16] =	ssyncadd.s32 $0xFFFF8000  }
0xf0: {  	[tilespmem:s15], [sflag:$0x1] =	stream.indirect.gather [hbm4b:s3+s14], $0x100, s0, s14, $0xb8;
	[tilespmem:$0x1F000] =	vst v63  }
0xf1: {  	_ =	swait.ge [sflag:s16], $0x8000  }
0xf2: {  	[sflag:s16] =	ssyncset.done $0x0  }
0xf3: {  	[sflag:s16] =	ssyncadd.s32 $0xFFFF8000  }
0xf4: {  	[tilespmem:s15], [sflag:$0x1] =	stream.indirect.gather [hbm4b:s3+s14], $0x100, s1, s14, $0xb8;
	[tilespmem:$0x1F000] =	vst v63  }
0xf5: {  	_ =	swait.ge [sflag:s16], $0x8000  }
0xf6: {  	[sflag:s16] =	ssyncset.done $0x0  }
0xf7: {  	[sflag:s16] =	ssyncadd.s32 $0xFFFF8000  }
0xf8: {  	[bflag:$0x0] =	sbarrier.arrive $0xFFFF  }
0xf9: {  	s10 =	rddreg [dreg:$0x4]  }
0xfa: {  	s6 =	rddreg [dreg:$0x5]  }
0xfb: {  	s7 =	rddreg [dreg:$0x8]  }
0xfc: {  	[hbm:s6], [sflag:s10] =	dma.local [spmem:s7], $0x2800  }
0xfd: {  	_ =	swait.ge [sflag:s11], $0x2800  }
0xfe: {  	s4 =	sadd.s32 $0x1, s4;
	s25 =	rddreg [dreg:$0x6]  }
0xff: {  	p0 =	sne.s32 s4, s25  }
.Ltmp1:
0x100: {  	_ = 	snop;
	(pc) =	sbr.rel @p0 .LBB2_1-.Ltmp1, $3  }
0x101: {  	_ =	sdelay $0x1  }
0x102: {  	[sflag:s11] =	ssyncset.done $0x0  }
0x103: {  	[sflag:s11] =	ssyncadd.s32 $0xFFFFD800  }
0x104: {  	_ =	sfence.sel $0x180000  }
0x105: {  	[bflag:$0x0] =	sbarrier.arrive $0xFFFF  }
0x106: {  	_ =	strace $0x9000004D  }
0x107: {  	s0 =	stileid.u32;
	[bflag:$0x2] =	sbarrier.arrive $0xFFFF  }
0x108: {  	p0 =	sne.s32 s0, $0x0;
	s0 =	rddreg [dreg:$0x2]  }
0x109: {  	s0 =	sadd.s32 @!p0 $0x100000, s0  }
0x10a: {  	[sflag:s0] =	ssyncadd.tile.s32 @!p0 $0x1;
	_ =	shalt  }
.Lfunc_end2:
_tile_overlayer_lowered:
.L_overlay_start_2:
0x10b: {  	(tag) =	ssettag $0x2  }
0x10c: {  	s0 =	rddreg [dreg:$0x0];
	s2 =	stileid.u32  }
0x10d: {  	s1 =	rddreg [dreg:$0x1];
	p0 =	sne.s32 s2, $0x0  }
0x10e: {  	s3 =	rddreg [dreg:$0x2];
	[bflag:$0x3] =	sbarrier.arrive $0xFFFF;
	s2 =	simm.s32 @!p0 $0x1C02  }
0x10f: {  	[timem:s3], [sflag:s2] =	dma.local @!p0 [hbm:s0], s1  }
0x110: {  	s0 =	simm.s32 @!p0 $0x2  }
0x111: {  	_ =	swait.ge @!p0 [sflag:s0], s1  }
0x112: {  	s1 =	ssub.s32 @!p0 $0x0, s1;
	[sflag:s0] =	ssyncset.done @!p0 $0x0  }
0x113: {  	[sflag:s0] =	ssyncadd.s32 @!p0 s1  }
0x114: {  	[bflag:$0x3] =	sbarrier.arrive $0xFFFF  }
0x115: {  	_ =	shalt  }

// kernel: kernel.19.cloned.1.call-start
scs
__scs_entry_jumppad:
0x0: {  	(pc) =	sbr.rel $0x88, $3  }
0x1: {  	(tag) =	ssettag $0x0;
	lr =	simm.s32 $0x1  }
0x2: {  	[smem:$0x3F97] =	sst lr;
	_ =	strace $0xD0000000  }
0x3: {  	_ = 	snop  }
0x4: {  	_ = 	snop  }
0x5: {  	_ = 	snop  }
0x6: {  	_ = 	snop  }
0x7: {  	_ = 	snop  }
__scs_overlays_trampoline_lowered:
0x8: {  	[smem:$0x3FA6] =	sst s0  }
0x9: {  	[smem:$0x3FA7] =	sst s1  }
0xa: {  	[smem:$0x3FA8] =	sst s2  }
0xb: {  	[smem:$0x3FA9] =	sst s3  }
0xc: {  	[smem:$0x3FAA] =	sst s4  }
0xd: {  	[smem:$0x3FAB] =	sst s5  }
0xe: {  	[smem:$0x3FAC] =	sst s6  }
0xf: {  	[smem:$0x3FAD] =	sst s7  }
0x10: {  	[smem:$0x3FAE] =	sst s8  }
0x11: {  	[smem:$0x3FAF] =	sst s9;
	s0 =	simm.s32 @!p0 $0x0  }
0x12: {  	s1 =	sld [smem:$0x3F95];
	s0 =	simm.s32 @p0 $0x1  }
0x13: {  	[smem:$0x3FB0] =	sst s0;
	s0 =	simm.s32 @!p1 $0x0  }
0x14: {  	s2 =	sld [smem:$0x3F94];
	s0 =	simm.s32 @p1 $0x1  }
0x15: {  	[smem:$0x3FB1] =	sst s0;
	s0 =	simm.s32 @!p2 $0x0  }
0x16: {  	s3 =	sld [smem:$0x3FDB];
	s0 =	simm.s32 @p2 $0x1  }
0x17: {  	s4 =	simm.s32 $0x1BF5;
	[smem:$0x3FB3] =	sst s0  }
0x18: {  	s0 =	sld [smem:$0x3F96];
	_ =	swait.ge [sflag:s4], $0x0  }
0x19: {  	s7 =	sld [smem:$0x3F97]  }
0x1a: {  	s8 =	sadd.s32 $0xFFFFE003, lr  }
0x1b: {  	s9 =	sadd.s32 $0xFFFFFEF7, lr;
	s5 =	simm.s32 $0xFFFFFFFF;
	p2 =	slt.u32 s8, $0xFFFFF086  }
0x1c: {  	p1 =	slt.u32 s9, $0xF7A;
	s5 =	simm.s32 @!p2 $0x0  }
0x1d: {  	s5 =	simm.s32 @p1 $0x1;
	p0 =	seq.s32 s7, s2  }
0x1e: {  	s7 =	smul.u32 @!p0 $0xF7A, s2;
	p2 =	seq.s32 @!p0 s5, $0x0  }
0x1f: {  	s9 =	smul.u32 $0xF7A, s1;
	s8 =	simm.s32 @!p0 $0x1BF5;
	p2 =	por !p2, p0  }
0x20: {  	[sflag:s8] =	ssyncset.s32 @!p0 $0xFFFFF086;
	s6 =	sadd.s32 @!p0 s3, s7;
	s7 =	simm.s32 @!p0 $0x108  }
0x21: {  	s3 =	sadd.s32 s3, s9;
	s6 =	sadd.s32 @!p0 $0x88, s6;
	s7 =	simm.s32 @p2 $0x1082  }
0x22: {  	[simem:s7], [sflag:s8] =	dma.local @!p0 [hbm:s6], $0xF7A  }
0x23: {  	s9 =	sor.u32 $0xD0000000, s2;
	s6 =	simm.s32 $0x108;
	_ =	swait.ge @!p0 [sflag:s8], $0x0  }
0x24: {  	s3 =	sadd.s32 $0x88, s3;
	s6 =	simm.s32 @!p1 $0x1082;
	[sflag:s4] =	ssyncset.s32 $0xFFFFF086  }
0x25: {  	[simem:s6], [sflag:s4] =	dma.local [hbm:s3], $0xF7A  }
0x26: {  	[smem:$0x3F97] =	sst s1;
	(tag) =	ssettag s2;
	_ =	strace s9  }
0x27: {  	s1 =	sld [smem:$0x3FA7]  }
0x28: {  	s2 =	sld [smem:$0x3FA8]  }
0x29: {  	s4 =	sld [smem:$0x3FAA]  }
0x2a: {  	p0 =	seq.s32 s5, $0x0;
	s5 =	sld [smem:$0x3FAB]  }
0x2b: {  	s6 =	sld [smem:$0x3FAC]  }
0x2c: {  	s7 =	sld [smem:$0x3FAD]  }
0x2d: {  	s3 =	simm.s32 $0x108;
	s8 =	sld [smem:$0x3FAE]  }
0x2e: {  	s3 =	simm.s32 @!p0 $0x1082;
	s9 =	sld [smem:$0x3FAF]  }
0x2f: {  	lr =	sadd.s32 s0, s3;
	s0 =	sld [smem:$0x3FA6]  }
0x30: {  	s3 =	sld [smem:$0x3FA9]  }
0x31: {  	[smem:$0x3FB2] =	sst s10  }
0x32: {  	s10 =	sld [smem:$0x3FB0];
	_ =	sdelay $0x3  }
0x33: {  	p0 =	seq.s32 s10, $0x1;
	s10 =	sld [smem:$0x3FB2];
	_ =	sdelay $0x3  }
0x34: {  	[smem:$0x3FB2] =	sst s10  }
0x35: {  	s10 =	sld [smem:$0x3FB1];
	_ =	sdelay $0x3  }
0x36: {  	p1 =	seq.s32 s10, $0x1;
	s10 =	sld [smem:$0x3FB2];
	_ =	sdelay $0x3  }
0x37: {  	[smem:$0x3FB2] =	sst s10  }
0x38: {  	s10 =	sld [smem:$0x3FB3]  }
0x39: {  	_ = 	snop;
	(pc) =	sbr.ind lr, $3  }
0x3a: {  	_ = 	snop  }
0x3b: {  	_ = 	snop  }
0x3c: {  	p2 =	seq.s32 s10, $0x1;
	s10 =	sld [smem:$0x3FB2]  }
0x3d: {  	_ =	shalt  }
0x3e: {  	_ =	shalt  }
0x3f: {  	_ =	shalt  }
0x40: {  	_ =	shalt  }
0x41: {  	_ =	shalt  }
0x42: {  	_ =	shalt  }
0x43: {  	_ =	shalt  }
0x44: {  	_ =	shalt  }
0x45: {  	_ =	shalt  }
0x46: {  	_ =	shalt  }
0x47: {  	_ =	shalt  }
0x48: {  	_ =	shalt  }
0x49: {  	_ =	shalt  }
0x4a: {  	_ =	shalt  }
0x4b: {  	_ =	shalt  }
0x4c: {  	_ =	shalt  }
0x4d: {  	_ =	shalt  }
0x4e: {  	_ =	shalt  }
0x4f: {  	_ =	shalt  }
0x50: {  	_ =	shalt  }
0x51: {  	_ =	shalt  }
0x52: {  	_ =	shalt  }
0x53: {  	_ =	shalt  }
0x54: {  	_ =	shalt  }
0x55: {  	_ =	shalt  }
0x56: {  	_ =	shalt  }
0x57: {  	_ =	shalt  }
0x58: {  	_ =	shalt  }
0x59: {  	_ =	shalt  }
0x5a: {  	_ =	shalt  }
0x5b: {  	_ =	shalt  }
0x5c: {  	_ =	shalt  }
0x5d: {  	_ =	shalt  }
0x5e: {  	_ =	shalt  }
0x5f: {  	_ =	shalt  }
0x60: {  	_ =	shalt  }
0x61: {  	_ =	shalt  }
0x62: {  	_ =	shalt  }
0x63: {  	_ =	shalt  }
0x64: {  	_ =	shalt  }
0x65: {  	_ =	shalt  }
0x66: {  	_ =	shalt  }
0x67: {  	_ =	shalt  }
0x68: {  	_ =	shalt  }
0x69: {  	_ =	shalt  }
0x6a: {  	_ =	shalt  }
0x6b: {  	_ =	shalt  }
0x6c: {  	_ =	shalt  }
0x6d: {  	_ =	shalt  }
0x6e: {  	_ =	shalt  }
0x6f: {  	_ =	shalt  }
0x70: {  	_ =	shalt  }
0x71: {  	_ =	shalt  }
0x72: {  	_ =	shalt  }
0x73: {  	_ =	shalt  }
0x74: {  	_ =	shalt  }
0x75: {  	_ =	shalt  }
0x76: {  	_ =	shalt  }
0x77: {  	_ =	shalt  }
0x78: {  	_ =	shalt  }
0x79: {  	_ =	shalt  }
0x7a: {  	_ =	shalt  }
0x7b: {  	_ =	shalt  }
0x7c: {  	_ =	shalt  }
0x7d: {  	_ =	shalt  }
0x7e: {  	_ =	shalt  }
0x7f: {  	_ =	shalt  }
0x80: {  	_ =	shalt  }
0x81: {  	_ =	shalt  }
0x82: {  	_ =	shalt  }
0x83: {  	_ =	shalt  }
0x84: {  	_ =	shalt  }
0x85: {  	_ =	shalt  }
0x86: {  	_ =	shalt  }
0x87: {  	_ =	shalt  }
.Lfunc_end0:
.L_simem_size_0:
called_computation.3_lowered:
.L_overlay_start_0:
0x88: {  	s2 =	sld [smem:$0x3FD9]  }
0x89: {  	s3 =	sld [smem:$0x3FFE];
	_ =	sdelay $0x1  }
0x8a: {  	s1 =	srdreg.scid  }
0x8b: {  	s0 =	sand.u32 $0x1, s1  }
0x8c: {  	s16 =	sshll.u32 s0, $0xA;
	s2 =	sadd.s32 s3, s2  }
0x8d: {  	s2 =	sadd.s32 s2, s16  }
0x8e: {  	[smem:$0x3FBE] =	sst s2  }
0x8f: {  	_ = 	snop  }
0x90: {  	(tm) =	ssettm $0x1  }
0x91: {  	s17 =	sld [smem:$0x3FFB];
	_ =	sdelay $0x3  }
0x92: {  	_ =	strace s17  }
0x93: {  	s2 =	sld [smem:$0x3FFC];
	_ =	sdelay $0x3  }
0x94: {  	_ =	strace s2  }
0x95: {  	s2 =	sld [smem:$0x3FFD];
	_ =	sdelay $0x3  }
0x96: {  	_ =	strace s2  }
0x97: {  	_ =	strace $0x8FFFFFFF  }
0x98: {  	s18 =	sld [smem:$0x3FDB];
	_ =	sdelay $0x1  }
0x99: {  	s19 =	simm.s32 $_scs_section_size  }
0x9a: {  	s4 =	simm.s32 $_size__tile_overlayer_lowered;
	s5 =	simm.s32 $_tile_overlayer_lowered  }
0x9b: {  	s22 =	simm.s32 $0x1BFF;
	s21 =	sshll.u32 s5, $0x1;
	s2 =	sadd.s32 s19, s18  }
0x9c: {  	s6 =	simm.s32 $0x0;
	s20 =	sshll.u32 s4, $0x1;
	s4 =	sadd.s32 s21, s2  }
0x9d: {  	[timem:s6], [sflag:s22] =	dma.local [hbm:s4], s20  }
0x9e: {  	_ =	swait.ge [sflag:s22], s20  }
0x9f: {  	s3 =	ssub.s32 $0x0, s20;
	[sflag:s22] =	ssyncset.done $0x0  }
0xa0: {  	[sflag:s22] =	ssyncadd.s32 s3;
	_ =	sdelay $0x1  }
0xa1: {  	s23 =	simm.s32 $0x1B8B  }
0xa2: {  	_ =	swait.ge [sflag:s23], $0x1  }
0xa3: {  	[sflag:s23] =	ssyncset.done $0x0  }
0xa4: {  	s25 =	simm.s32 $0x1B8E;
	s24 =	sld [smem:$0x3FFE];
	[sflag:s23] =	ssyncadd.s32 $0xFFFFFFFF  }
0xa5: {  	s26 =	simm.s32 $execute0_lowered;
	[smem:$0x3FD2] =	sst s25  }
0xa6: {  	s4 =	sshll.u32 s26, $0x1;
	_ =	strace $0x8000004F;
	[dreg:$0x1] =	wrdreg $0xFFFFFFFF  }
0xa7: {  	s28 =	simm.s32 $_size_execute0_lowered;
	s2 =	sadd.s32 s2, s4;
	[dreg:$0x0] =	wrdreg $0x0  }
0xa8: {  	s4 =	sshll.u32 s28, $0x1;
	[dreg:$0x2] =	wrdreg s2  }
0xa9: {  	[dreg:$0x3] =	wrdreg s4  }
0xaa: {  	[dreg:$0x4] =	wrdreg $0xC0  }
0xab: {  	_ =	task [dreg:s6], $0x5FFFF  }
0xac: {  	[dreg:$0x1] =	wrdreg $0xFFFFFFFF  }
0xad: {  	[dreg:$0x0] =	wrdreg $0x60  }
0xae: {  	[dreg:$0x2] =	wrdreg s24  }
0xaf: {  	[dreg:$0x3] =	wrdreg $0x0  }
0xb0: {  	[dreg:$0x4] =	wrdreg $0x9  }
0xb1: {  	_ =	task.clear_ibuf [dreg:s6], $0x5FFFF;
	_ =	strace $0x9000004F  }
0xb2: {  	s29 =	simm.s32 $0x9;
	_ =	strace $0x80000051  }
0xb3: {  	_ =	swait.ge [sflag:s29], $0x1  }
0xb4: {  	[sflag:s29] =	ssyncadd.s32 $0xFFFFFFFF  }
0xb5: {  	_ =	strace $0x90000051  }
0xb6: {  	_ =	sfence  }
0xb7: {  	s30 =	sld [smem:$0x0];
	_ =	sdelay $0x2  }
0xb8: {  	s31 =	sshll.u32 s1, $0xD;
	s1 =	sshrl.u32 s1, $0x2  }
0xb9: {  	s3 =	sand.u32 $0x4000, s31;
	s1 =	sadd.s32 s1, s30  }
0xba: {  	s0 =	sor.u32 s3, s0;
	s1 =	sshll.u32 s1, $0x11  }
0xbb: {  	s0 =	sor.u32 s1, s0  }
0xbc: {  	s0 =	sadd.s32 $0x8F2B, s0  }
0xbd: {  	[sflag:s0] =	ssyncadd.remote.s32 $0x1  }
0xbe: {  	_ =	sfence.sel $0xFFFF  }
0xbf: {  	[dreg:$0x0] =	wrdreg $0xFFFFFFFF;
	(pc) =	sbr.abs _section_cstart, $3  }
0xc0: {  	[dreg:$0x1] =	wrdreg $0xFFFFFFFF  }
0xc1: {  	_ =	task.clear_ibuf [dreg:s6], $0x2FFFF;
	_ =	strace $0x9FFFFFFF  }
0xc2: {  	(tm) =	ssettm $0x7FFFFFFF  }
0xc3: {  	_ =	shalt  }
tec
execute0_lowered:
.L_overlay_start_1:
0x0: {  	(tag) =	ssettag $0x1  }
0x1: {  	s0 =	rddreg [dreg:$0x0]  }
0x2: {  	s1 =	rddreg [dreg:$0x1];
	s12 =	stileid.u32  }
0x3: {  	s3 =	srdreg.scid;
	s2 =	simm.s32 $0x0;
	s13 =	simm.s32 $0x16800  }
0x4: {  	s14 =	simm.s32 $0x80;
	s15 =	simm.s32 $0x17000;
	s16 =	simm.s32 $0x1  }
0x5: {  	s17 =	simm.s32 $0x16080;
	s18 =	simm.s32 $0x16100;
	s19 =	simm.s32 $0x16180  }
0x6: {  	s20 =	simm.s32 $0x16200;
	s21 =	simm.s32 $0x16280;
	s4 =	smul.u32 $0x500, s12  }
0x7: {  	s28 =	simm.s32 $0x16500;
	s29 =	simm.s32 $0x16580;
	s6 =	smul.u32 $0x2800, s12  }
0x8: {  	s30 =	simm.s32 $0x16600;
	s31 =	simm.s32 $0x16680;
	s22 =	smul.u32 $0x14000, s12  }
0x9: {  	s5 =	sand.u32 $0x1, s3;
	[smem:$0x7FF] =	sst s2;
	s9 =	smul.u32 $0x16000, s12  }
0xa: {  	s3 =	sadd.s32 $0x6E00, s0;
	s26 =	sshll.u32 s12, $0x6;
	s7 =	smul.u32 $0x28000, s5  }
0xb: {  	s12 =	simm.s32 $0x16000;
	_ =	strace $0x80000050;
	s8 =	smul.u32 $0x140000, s5  }
0xc: {  	s5 =	ssub.s32 $0x2, s5;
	s4 =	sadd.s32 s4, s0;
	s10 =	sshrl.u32 s9, $0x3  }
0xd: {  	s11 =	sshrl.u32 s5, $0x1;
	s24 =	sadd.s32 s9, s1;
	s6 =	sadd.s32 s7, s6  }
0xe: {  	s8 =	sadd.s32 s22, s8;
	s10 =	sadd.s32 s10, s0;
	s23 =	ssub.s32 s5, s11  }
0xf: {  	s7 =	sadd.s32 s22, s1;
	s9 =	sadd.s32 $0x1E00, s4;
	s11 =	simm.s32 $0x2  }
0x10: {  	s22 =	simm.s32 $0x16300;
	s1 =	simm.s32 $0x16780;
	s4 =	simm.s32 $0x0  }
0x11: {  	s6 =	sshrl.u32 s6, $0x3;
	s8 =	sshrl.u32 s8, $0x3;
	s25 =	sadd.s32 $0x56E00, s10  }
0x12: {  	s10 =	sor.u32 $0x1C02, s26;
	s26 =	sshrl.u32 s24, $0x3;
	[dreg:$0x3] =	wrdreg s25  }
0x13: {  	s24 =	simm.s32 $0x16400;
	s6 =	sadd.s32 s6, s0;
	[dreg:$0x7] =	wrdreg s26  }
0x14: {  	s0 =	sadd.s32 s8, s0;
	s25 =	smax.u32 s23, $0x1;
	[dreg:$0x4] =	wrdreg s10  }
0x15: {  	s23 =	simm.s32 $0x16380;
	s0 =	sadd.s32 $0x82E00, s0;
	[dreg:$0x6] =	wrdreg s25  }
0x16: {  	s26 =	simm.s32 $0x16480;
	[dreg:$0x5] =	wrdreg s0;
	s0 =	sshrl.u32 s7, $0x3  }
0x17: {  	s8 =	sadd.s32 $0x101600, s6;
	[dreg:$0x8] =	wrdreg s0;
	s0 =	simm.s32 $0x16700  }
.LBB2_1:
0x18: {  	s5 =	rddreg [dreg:$0x3]  }
0x19: {  	s6 =	rddreg [dreg:$0x7]  }
0x1a: {  	[spmem:s6], [sflag:s10] =	dma.local [hbm:s5], $0x2C00  }
0x1b: {  	_ =	swait.ge [sflag:s11], $0x2C00  }
0x1c: {  	[sflag:s11] =	ssyncset.done $0x0  }
0x1d: {  	[sflag:s11] =	ssyncadd.s32 $0xFFFFD400  }
0x1e: {  	s10 =	sadd.s32 $0x0, s9;
	[bflag:$0x0] =	sbarrier.arrive $0xFFFF  }
0x1f: {  	[tilespmem:s12], [sflag:$0x2] =	stream.linear.gather [hbm4b:s10+s2], $0x800, $0x38;
	[tilespmem:$0x1F000] =	vst v63  }
0x20: {  	_ =	swait.ge [sflag:s11], $0x800  }
0x21: {  	[sflag:s11] =	ssyncset.done $0x0  }
0x22: {  	s25 =	sadd.s32 $0x0, s8;
	[sflag:s11] =	ssyncadd.s32 $0xFFFFF800  }
0x23: {  	[tilespmem:s13], [sflag:$0x2] =	stream.linear.gather [hbm4b:s25+s2], $0x800, $0x38;
	[tilespmem:$0x1F000] =	vst v63  }
0x24: {  	_ =	swait.ge [sflag:s11], $0x800  }
0x25: {  	[sflag:s11] =	ssyncset.done $0x0  }
0x26: {  	[sflag:s11] =	ssyncadd.s32 $0xFFFFF800  }
0x27: {  	[tilespmem:s15], [sflag:$0x1] =	stream.indirect.gather [hbm4b:s3+s14], $0x100, s12, s14, $0xb8;
	[tilespmem:$0x1F000] =	vst v63  }
0x28: {  	_ =	swait.ge [sflag:s16], $0x8000  }
0x29: {  	[sflag:s16] =	ssyncset.done $0x0  }
0x2a: {  	[sflag:s16] =	ssyncadd.s32 $0xFFFF8000  }
0x2b: {  	[tilespmem:s15], [sflag:$0x1] =	stream.indirect.gather [hbm4b:s3+s14], $0x100, s17, s14, $0xb8;
	[tilespmem:$0x1F000] =	vst v63  }
0x2c: {  	_ =	swait.ge [sflag:s16], $0x8000  }
0x2d: {  	[sflag:s16] =	ssyncset.done $0x0  }
0x2e: {  	[sflag:s16] =	ssyncadd.s32 $0xFFFF8000  }
0x2f: {  	[tilespmem:s15], [sflag:$0x1] =	stream.indirect.gather [hbm4b:s3+s14], $0x100, s18, s14, $0xb8;
	[tilespmem:$0x1F000] =	vst v63  }
0x30: {  	_ =	swait.ge [sflag:s16], $0x8000  }
0x31: {  	[sflag:s16] =	ssyncset.done $0x0  }
0x32: {  	[sflag:s16] =	ssyncadd.s32 $0xFFFF8000  }
0x33: {  	[tilespmem:s15], [sflag:$0x1] =	stream.indirect.gather [hbm4b:s3+s14], $0x100, s19, s14, $0xb8;
	[tilespmem:$0x1F000] =	vst v63  }
0x34: {  	_ =	swait.ge [sflag:s16], $0x8000  }
0x35: {  	[sflag:s16] =	ssyncset.done $0x0  }
0x36: {  	[sflag:s16] =	ssyncadd.s32 $0xFFFF8000  }
0x37: {  	[tilespmem:s15], [sflag:$0x1] =	stream.indirect.gather [hbm4b:s3+s14], $0x100, s20, s14, $0xb8;
	[tilespmem:$0x1F000] =	vst v63  }
0x38: {  	_ =	swait.ge [sflag:s16], $0x8000  }
0x39: {  	[sflag:s16] =	ssyncset.done $0x0  }
0x3a: {  	[sflag:s16] =	ssyncadd.s32 $0xFFFF8000  }
0x3b: {  	[tilespmem:s15], [sflag:$0x1] =	stream.indirect.gather [hbm4b:s3+s14], $0x100, s21, s14, $0xb8;
	[tilespmem:$0x1F000] =	vst v63  }
0x3c: {  	_ =	swait.ge [sflag:s16], $0x8000  }
0x3d: {  	[sflag:s16] =	ssyncset.done $0x0  }
0x3e: {  	[sflag:s16] =	ssyncadd.s32 $0xFFFF8000  }
0x3f: {  	[tilespmem:s15], [sflag:$0x1] =	stream.indirect.gather [hbm4b:s3+s14], $0x100, s22, s14, $0xb8;
	[tilespmem:$0x1F000] =	vst v63  }
0x40: {  	_ =	swait.ge [sflag:s16], $0x8000  }
0x41: {  	[sflag:s16] =	ssyncset.done $0x0  }
0x42: {  	[sflag:s16] =	ssyncadd.s32 $0xFFFF8000  }
0x43: {  	[tilespmem:s15], [sflag:$0x1] =	stream.indirect.gather [hbm4b:s3+s14], $0x100, s23, s14, $0xb8;
	[tilespmem:$0x1F000] =	vst v63  }
0x44: {  	_ =	swait.ge [sflag:s16], $0x8000  }
0x45: {  	[sflag:s16] =	ssyncset.done $0x0  }
0x46: {  	[sflag:s16] =	ssyncadd.s32 $0xFFFF8000  }
0x47: {  	[tilespmem:s15], [sflag:$0x1] =	stream.indirect.gather [hbm4b:s3+s14], $0x100, s24, s14, $0xb8;
	[tilespmem:$0x1F000] =	vst v63  }
0x48: {  	_ =	swait.ge [sflag:s16], $0x8000  }
0x49: {  	[sflag:s16] =	ssyncset.done $0x0  }
0x4a: {  	[sflag:s16] =	ssyncadd.s32 $0xFFFF8000  }
0x4b: {  	[tilespmem:s15], [sflag:$0x1] =	stream.indirect.gather [hbm4b:s3+s14], $0x100, s26, s14, $0xb8;
	[tilespmem:$0x1F000] =	vst v63  }
0x4c: {  	_ =	swait.ge [sflag:s16], $0x8000  }
0x4d: {  	[sflag:s16] =	ssyncset.done $0x0  }
0x4e: {  	[sflag:s16] =	ssyncadd.s32 $0xFFFF8000  }
0x4f: {  	[tilespmem:s15], [sflag:$0x1] =	stream.indirect.gather [hbm4b:s3+s14], $0x100, s28, s14, $0xb8;
	[tilespmem:$0x1F000] =	vst v63  }
0x50: {  	_ =	swait.ge [sflag:s16], $0x8000  }
0x51: {  	[sflag:s16] =	ssyncset.done $0x0  }
0x52: {  	[sflag:s16] =	ssyncadd.s32 $0xFFFF8000  }
0x53: {  	[tilespmem:s15], [sflag:$0x1] =	stream.indirect.gather [hbm4b:s3+s14], $0x100, s29, s14, $0xb8;
	[tilespmem:$0x1F000] =	vst v63  }
0x54: {  	_ =	swait.ge [sflag:s16], $0x8000  }
0x55: {  	[sflag:s16] =	ssyncset.done $0x0  }
0x56: {  	[sflag:s16] =	ssyncadd.s32 $0xFFFF8000  }
0x57: {  	[tilespmem:s15], [sflag:$0x1] =	stream.indirect.gather [hbm4b:s3+s14], $0x100, s30, s14, $0xb8;
	[tilespmem:$0x1F000] =	vst v63  }
0x58: {  	_ =	swait.ge [sflag:s16], $0x8000  }
0x59: {  	[sflag:s16] =	ssyncset.done $0x0  }
0x5a: {  	[sflag:s16] =	ssyncadd.s32 $0xFFFF8000  }
0x5b: {  	[tilespmem:s15], [sflag:$0x1] =	stream.indirect.gather [hbm4b:s3+s14], $0x100, s31, s14, $0xb8;
	[tilespmem:$0x1F000] =	vst v63  }
0x5c: {  	_ =	swait.ge [sflag:s16], $0x8000  }
0x5d: {  	[sflag:s16] =	ssyncset.done $0x0  }
0x5e: {  	[sflag:s16] =	ssyncadd.s32 $0xFFFF8000  }
0x5f: {  	[tilespmem:s15], [sflag:$0x1] =	stream.indirect.gather [hbm4b:s3+s14], $0x100, s0, s14, $0xb8;
	[tilespmem:$0x1F000] =	vst v63  }
0x60: {  	_ =	swait.ge [sflag:s16], $0x8000  }
0x61: {  	[sflag:s16] =	ssyncset.done $0x0  }
0x62: {  	[sflag:s16] =	ssyncadd.s32 $0xFFFF8000  }
0x63: {  	[tilespmem:s15], [sflag:$0x1] =	stream.indirect.gather [hbm4b:s3+s14], $0x100, s1, s14, $0xb8;
	[tilespmem:$0x1F000] =	vst v63  }
0x64: {  	_ =	swait.ge [sflag:s16], $0x8000  }
0x65: {  	s7 =	simm.s32 $0x200;
	s6 =	simm.s32 $0x100;
	[sflag:s16] =	ssyncset.done $0x0  }
.LBB2_2:
0x66: {  	s25 =	sadd.s32 s6, s9  }
0x67: {  	[sflag:s16] =	ssyncadd.s32 $0xFFFF8000;
	s5 =	smov.u32 s7;
	s10 =	sadd.s32 $0x100, s7  }
0x68: {  	[tilespmem:s12], [sflag:$0x2] =	stream.linear.gather [hbm4b:s25+s2], $0x800, $0x38;
	[tilespmem:$0x1F000] =	vst v63  }
0x69: {  	p0 =	sne.s32 s7, $0x400;
	_ =	swait.ge [sflag:s11], $0x800  }
0x6a: {  	[sflag:s11] =	ssyncset.done $0x0  }
0x6b: {  	s7 =	sadd.s32 s6, s8;
	s6 =	smov.u32 s5;
	[sflag:s11] =	ssyncadd.s32 $0xFFFFF800  }
0x6c: {  	[tilespmem:s13], [sflag:$0x2] =	stream.linear.gather [hbm4b:s7+s2], $0x800, $0x38;
	[tilespmem:$0x1F000] =	vst v63  }
0x6d: {  	_ =	swait.ge [sflag:s11], $0x800  }
0x6e: {  	[sflag:s11] =	ssyncset.done $0x0  }
0x6f: {  	[sflag:s11] =	ssyncadd.s32 $0xFFFFF800  }
0x70: {  	[tilespmem:s15], [sflag:$0x1] =	stream.indirect.gather [hbm4b:s3+s14], $0x100, s12, s14, $0xb8;
	[tilespmem:$0x1F000] =	vst v63  }
0x71: {  	_ =	swait.ge [sflag:s16], $0x8000  }
0x72: {  	[sflag:s16] =	ssyncset.done $0x0  }
0x73: {  	[sflag:s16] =	ssyncadd.s32 $0xFFFF8000  }
0x74: {  	[tilespmem:s15], [sflag:$0x1] =	stream.indirect.gather [hbm4b:s3+s14], $0x100, s17, s14, $0xb8;
	[tilespmem:$0x1F000] =	vst v63  }
0x75: {  	_ =	swait.ge [sflag:s16], $0x8000  }
0x76: {  	[sflag:s16] =	ssyncset.done $0x0  }
0x77: {  	[sflag:s16] =	ssyncadd.s32 $0xFFFF8000  }
0x78: {  	[tilespmem:s15], [sflag:$0x1] =	stream.indirect.gather [hbm4b:s3+s14], $0x100, s18, s14, $0xb8;
	[tilespmem:$0x1F000] =	vst v63  }
0x79: {  	_ =	swait.ge [sflag:s16], $0x8000  }
0x7a: {  	[sflag:s16] =	ssyncset.done $0x0  }
0x7b: {  	[sflag:s16] =	ssyncadd.s32 $0xFFFF8000  }
0x7c: {  	[tilespmem:s15], [sflag:$0x1] =	stream.indirect.gather [hbm4b:s3+s14], $0x100, s19, s14, $0xb8;
	[tilespmem:$0x1F000] =	vst v63  }
0x7d: {  	_ =	swait.ge [sflag:s16], $0x8000  }
0x7e: {  	[sflag:s16] =	ssyncset.done $0x0  }
0x7f: {  	[sflag:s16] =	ssyncadd.s32 $0xFFFF8000  }
0x80: {  	[tilespmem:s15], [sflag:$0x1] =	stream.indirect.gather [hbm4b:s3+s14], $0x100, s20, s14, $0xb8;
	[tilespmem:$0x1F000] =	vst v63  }
0x81: {  	_ =	swait.ge [sflag:s16], $0x8000  }
0x82: {  	[sflag:s16] =	ssyncset.done $0x0  }
0x83: {  	[sflag:s16] =	ssyncadd.s32 $0xFFFF8000  }
0x84: {  	[tilespmem:s15], [sflag:$0x1] =	stream.indirect.gather [hbm4b:s3+s14], $0x100, s21, s14, $0xb8;
	[tilespmem:$0x1F000] =	vst v63  }
0x85: {  	_ =	swait.ge [sflag:s16], $0x8000  }
0x86: {  	[sflag:s16] =	ssyncset.done $0x0  }
0x87: {  	[sflag:s16] =	ssyncadd.s32 $0xFFFF8000  }
0x88: {  	[tilespmem:s15], [sflag:$0x1] =	stream.indirect.gather [hbm4b:s3+s14], $0x100, s22, s14, $0xb8;
	[tilespmem:$0x1F000] =	vst v63  }
0x89: {  	_ =	swait.ge [sflag:s16], $0x8000  }
0x8a: {  	[sflag:s16] =	ssyncset.done $0x0  }
0x8b: {  	[sflag:s16] =	ssyncadd.s32 $0xFFFF8000  }
0x8c: {  	[tilespmem:s15], [sflag:$0x1] =	stream.indirect.gather [hbm4b:s3+s14], $0x100, s23, s14, $0xb8;
	[tilespmem:$0x1F000] =	vst v63  }
0x8d: {  	_ =	swait.ge [sflag:s16], $0x8000  }
0x8e: {  	[sflag:s16] =	ssyncset.done $0x0  }
0x8f: {  	[sflag:s16] =	ssyncadd.s32 $0xFFFF8000  }
0x90: {  	[tilespmem:s15], [sflag:$0x1] =	stream.indirect.gather [hbm4b:s3+s14], $0x100, s24, s14, $0xb8;
	[tilespmem:$0x1F000] =	vst v63  }
0x91: {  	_ =	swait.ge [sflag:s16], $0x8000  }
0x92: {  	[sflag:s16] =	ssyncset.done $0x0  }
0x93: {  	[sflag:s16] =	ssyncadd.s32 $0xFFFF8000  }
0x94: {  	[tilespmem:s15], [sflag:$0x1] =	stream.indirect.gather [hbm4b:s3+s14], $0x100, s26, s14, $0xb8;
	[tilespmem:$0x1F000] =	vst v63  }
0x95: {  	_ =	swait.ge [sflag:s16], $0x8000  }
0x96: {  	[sflag:s16] =	ssyncset.done $0x0  }
0x97: {  	[sflag:s16] =	ssyncadd.s32 $0xFFFF8000  }
0x98: {  	[tilespmem:s15], [sflag:$0x1] =	stream.indirect.gather [hbm4b:s3+s14], $0x100, s28, s14, $0xb8;
	[tilespmem:$0x1F000] =	vst v63  }
0x99: {  	_ =	swait.ge [sflag:s16], $0x8000  }
0x9a: {  	[sflag:s16] =	ssyncset.done $0x0  }
0x9b: {  	[sflag:s16] =	ssyncadd.s32 $0xFFFF8000  }
0x9c: {  	[tilespmem:s15], [sflag:$0x1] =	stream.indirect.gather [hbm4b:s3+s14], $0x100, s29, s14, $0xb8;
	[tilespmem:$0x1F000] =	vst v63  }
0x9d: {  	_ =	swait.ge [sflag:s16], $0x8000  }
0x9e: {  	[sflag:s16] =	ssyncset.done $0x0  }
0x9f: {  	[sflag:s16] =	ssyncadd.s32 $0xFFFF8000  }
0xa0: {  	[tilespmem:s15], [sflag:$0x1] =	stream.indirect.gather [hbm4b:s3+s14], $0x100, s30, s14, $0xb8;
	[tilespmem:$0x1F000] =	vst v63  }
0xa1: {  	_ =	swait.ge [sflag:s16], $0x8000  }
0xa2: {  	[sflag:s16] =	ssyncset.done $0x0  }
0xa3: {  	[sflag:s16] =	ssyncadd.s32 $0xFFFF8000  }
0xa4: {  	[tilespmem:s15], [sflag:$0x1] =	stream.indirect.gather [hbm4b:s3+s14], $0x100, s31, s14, $0xb8;
	[tilespmem:$0x1F000] =	vst v63  }
0xa5: {  	_ =	swait.ge [sflag:s16], $0x8000  }
0xa6: {  	[sflag:s16] =	ssyncset.done $0x0  }
0xa7: {  	[sflag:s16] =	ssyncadd.s32 $0xFFFF8000  }
0xa8: {  	[tilespmem:s15], [sflag:$0x1] =	stream.indirect.gather [hbm4b:s3+s14], $0x100, s0, s14, $0xb8;
	[tilespmem:$0x1F000] =	vst v63  }
0xa9: {  	_ =	swait.ge [sflag:s16], $0x8000  }
.Ltmp0:
0xaa: {  	[sflag:s16] =	ssyncset.done $0x0;
	(pc) =	sbr.rel @p0 .LBB2_2-.Ltmp0, $4  }
0xab: {  	[sflag:s16] =	ssyncadd.s32 $0xFFFF8000  }
0xac: {  	[tilespmem:s15], [sflag:$0x1] =	stream.indirect.gather [hbm4b:s3+s14], $0x100, s1, s14, $0xb8;
	[tilespmem:$0x1F000] =	vst v63  }
0xad: {  	_ =	swait.ge [sflag:s16], $0x8000  }
0xae: {  	s7 =	smov.u32 s10;
	[sflag:s16] =	ssyncset.done $0x0  }
0xaf: {  	s5 =	sadd.s32 s6, s9;
	[sflag:s16] =	ssyncadd.s32 $0xFFFF8000  }
0xb0: {  	[tilespmem:s12], [sflag:$0x2] =	stream.linear.gather [hbm4b:s5+s2], $0x800, $0x38;
	[tilespmem:$0x1F000] =	vst v63  }
0xb1: {  	_ =	swait.ge [sflag:s11], $0x800  }
0xb2: {  	[sflag:s11] =	ssyncset.done $0x0  }
0xb3: {  	s25 =	sadd.s32 s6, s8;
	[sflag:s11] =	ssyncadd.s32 $0xFFFFF800  }
0xb4: {  	[tilespmem:s13], [sflag:$0x2] =	stream.linear.gather [hbm4b:s25+s2], $0x800, $0x38;
	[tilespmem:$0x1F000] =	vst v63  }
0xb5: {  	_ =	swait.ge [sflag:s11], $0x800  }
0xb6: {  	[sflag:s11] =	ssyncset.done $0x0  }
0xb7: {  	[sflag:s11] =	ssyncadd.s32 $0xFFFFF800  }
0xb8: {  	[tilespmem:s15], [sflag:$0x1] =	stream.indirect.gather [hbm4b:s3+s14], $0x100, s12, s14, $0xb8;
	[tilespmem:$0x1F000] =	vst v63  }
0xb9: {  	_ =	swait.ge [sflag:s16], $0x8000  }
0xba: {  	[sflag:s16] =	ssyncset.done $0x0  }
0xbb: {  	[sflag:s16] =	ssyncadd.s32 $0xFFFF8000  }
0xbc: {  	[tilespmem:s15], [sflag:$0x1] =	stream.indirect.gather [hbm4b:s3+s14], $0x100, s17, s14, $0xb8;
	[tilespmem:$0x1F000] =	vst v63  }
0xbd: {  	_ =	swait.ge [sflag:s16], $0x8000  }
0xbe: {  	[sflag:s16] =	ssyncset.done $0x0  }
0xbf: {  	[sflag:s16] =	ssyncadd.s32 $0xFFFF8000  }
0xc0: {  	[tilespmem:s15], [sflag:$0x1] =	stream.indirect.gather [hbm4b:s3+s14], $0x100, s18, s14, $0xb8;
	[tilespmem:$0x1F000] =	vst v63  }
0xc1: {  	_ =	swait.ge [sflag:s16], $0x8000  }
0xc2: {  	[sflag:s16] =	ssyncset.done $0x0  }
0xc3: {  	[sflag:s16] =	ssyncadd.s32 $0xFFFF8000  }
0xc4: {  	[tilespmem:s15], [sflag:$0x1] =	stream.indirect.gather [hbm4b:s3+s14], $0x100, s19, s14, $0xb8;
	[tilespmem:$0x1F000] =	vst v63  }
0xc5: {  	_ =	swait.ge [sflag:s16], $0x8000  }
0xc6: {  	[sflag:s16] =	ssyncset.done $0x0  }
0xc7: {  	[sflag:s16] =	ssyncadd.s32 $0xFFFF8000  }
0xc8: {  	[tilespmem:s15], [sflag:$0x1] =	stream.indirect.gather [hbm4b:s3+s14], $0x100, s20, s14, $0xb8;
	[tilespmem:$0x1F000] =	vst v63  }
0xc9: {  	_ =	swait.ge [sflag:s16], $0x8000  }
0xca: {  	[sflag:s16] =	ssyncset.done $0x0  }
0xcb: {  	[sflag:s16] =	ssyncadd.s32 $0xFFFF8000  }
0xcc: {  	[tilespmem:s15], [sflag:$0x1] =	stream.indirect.gather [hbm4b:s3+s14], $0x100, s21, s14, $0xb8;
	[tilespmem:$0x1F000] =	vst v63  }
0xcd: {  	_ =	swait.ge [sflag:s16], $0x8000  }
0xce: {  	[sflag:s16] =	ssyncset.done $0x0  }
0xcf: {  	[sflag:s16] =	ssyncadd.s32 $0xFFFF8000  }
0xd0: {  	[tilespmem:s15], [sflag:$0x1] =	stream.indirect.gather [hbm4b:s3+s14], $0x100, s22, s14, $0xb8;
	[tilespmem:$0x1F000] =	vst v63  }
0xd1: {  	_ =	swait.ge [sflag:s16], $0x8000  }
0xd2: {  	[sflag:s16] =	ssyncset.done $0x0  }
0xd3: {  	[sflag:s16] =	ssyncadd.s32 $0xFFFF8000  }
0xd4: {  	[tilespmem:s15], [sflag:$0x1] =	stream.indirect.gather [hbm4b:s3+s14], $0x100, s23, s14, $0xb8;
	[tilespmem:$0x1F000] =	vst v63  }
0xd5: {  	_ =	swait.ge [sflag:s16], $0x8000  }
0xd6: {  	[sflag:s16] =	ssyncset.done $0x0  }
0xd7: {  	[sflag:s16] =	ssyncadd.s32 $0xFFFF8000  }
0xd8: {  	[tilespmem:s15], [sflag:$0x1] =	stream.indirect.gather [hbm4b:s3+s14], $0x100, s24, s14, $0xb8;
	[tilespmem:$0x1F000] =	vst v63  }
0xd9: {  	_ =	swait.ge [sflag:s16], $0x8000  }
0xda: {  	[sflag:s16] =	ssyncset.done $0x0  }
0xdb: {  	[sflag:s16] =	ssyncadd.s32 $0xFFFF8000  }
0xdc: {  	[tilespmem:s15], [sflag:$0x1] =	stream.indirect.gather [hbm4b:s3+s14], $0x100, s26, s14, $0xb8;
	[tilespmem:$0x1F000] =	vst v63  }
0xdd: {  	_ =	swait.ge [sflag:s16], $0x8000  }
0xde: {  	[sflag:s16] =	ssyncset.done $0x0  }
0xdf: {  	[sflag:s16] =	ssyncadd.s32 $0xFFFF8000  }
0xe0: {  	[tilespmem:s15], [sflag:$0x1] =	stream.indirect.gather [hbm4b:s3+s14], $0x100, s28, s14, $0xb8;
	[tilespmem:$0x1F000] =	vst v63  }
0xe1: {  	_ =	swait.ge [sflag:s16], $0x8000  }
0xe2: {  	[sflag:s16] =	ssyncset.done $0x0  }
0xe3: {  	[sflag:s16] =	ssyncadd.s32 $0xFFFF8000  }
0xe4: {  	[tilespmem:s15], [sflag:$0x1] =	stream.indirect.gather [hbm4b:s3+s14], $0x100, s29, s14, $0xb8;
	[tilespmem:$0x1F000] =	vst v63  }
0xe5: {  	_ =	swait.ge [sflag:s16], $0x8000  }
0xe6: {  	[sflag:s16] =	ssyncset.done $0x0  }
0xe7: {  	[sflag:s16] =	ssyncadd.s32 $0xFFFF8000  }
0xe8: {  	[tilespmem:s15], [sflag:$0x1] =	stream.indirect.gather [hbm4b:s3+s14], $0x100, s30, s14, $0xb8;
	[tilespmem:$0x1F000] =	vst v63  }
0xe9: {  	_ =	swait.ge [sflag:s16], $0x8000  }
0xea: {  	[sflag:s16] =	ssyncset.done $0x0  }
0xeb: {  	[sflag:s16] =	ssyncadd.s32 $0xFFFF8000  }
0xec: {  	[tilespmem:s15], [sflag:$0x1] =	stream.indirect.gather [hbm4b:s3+s14], $0x100, s31, s14, $0xb8;
	[tilespmem:$0x1F000] =	vst v63  }
0xed: {  	_ =	swait.ge [sflag:s16], $0x8000  }
0xee: {  	[sflag:s16] =	ssyncset.done $0x0  }
0xef: {  	[sflag:s16] =	ssyncadd.s32 $0xFFFF8000  }
0xf0: {  	[tilespmem:s15], [sflag:$0x1] =	stream.indirect.gather [hbm4b:s3+s14], $0x100, s0, s14, $0xb8;
	[tilespmem:$0x1F000] =	vst v63  }
0xf1: {  	_ =	swait.ge [sflag:s16], $0x8000  }
0xf2: {  	[sflag:s16] =	ssyncset.done $0x0  }
0xf3: {  	[sflag:s16] =	ssyncadd.s32 $0xFFFF8000  }
0xf4: {  	[tilespmem:s15], [sflag:$0x1] =	stream.indirect.gather [hbm4b:s3+s14], $0x100, s1, s14, $0xb8;
	[tilespmem:$0x1F000] =	vst v63  }
0xf5: {  	_ =	swait.ge [sflag:s16], $0x8000  }
0xf6: {  	[sflag:s16] =	ssyncset.done $0x0  }
0xf7: {  	[sflag:s16] =	ssyncadd.s32 $0xFFFF8000  }
0xf8: {  	[bflag:$0x0] =	sbarrier.arrive $0xFFFF  }
0xf9: {  	s10 =	rddreg [dreg:$0x4]  }
0xfa: {  	s6 =	rddreg [dreg:$0x5]  }
0xfb: {  	s7 =	rddreg [dreg:$0x8]  }
0xfc: {  	[hbm:s6], [sflag:s10] =	dma.local [spmem:s7], $0x2800  }
0xfd: {  	_ =	swait.ge [sflag:s11], $0x2800  }
0xfe: {  	s4 =	sadd.s32 $0x1, s4;
	s25 =	rddreg [dreg:$0x6]  }
0xff: {  	p0 =	sne.s32 s4, s25  }
.Ltmp1:
0x100: {  	_ = 	snop;
	(pc) =	sbr.rel @p0 .LBB2_1-.Ltmp1, $3  }
0x101: {  	_ =	sdelay $0x1  }
0x102: {  	[sflag:s11] =	ssyncset.done $0x0  }
0x103: {  	[sflag:s11] =	ssyncadd.s32 $0xFFFFD800  }
0x104: {  	_ =	sfence.sel $0x180000  }
0x105: {  	[bflag:$0x0] =	sbarrier.arrive $0xFFFF  }
0x106: {  	_ =	strace $0x90000050  }
0x107: {  	s0 =	stileid.u32;
	[bflag:$0x2] =	sbarrier.arrive $0xFFFF  }
0x108: {  	p0 =	sne.s32 s0, $0x0;
	s0 =	rddreg [dreg:$0x2]  }
0x109: {  	s0 =	sadd.s32 @!p0 $0x100000, s0  }
0x10a: {  	[sflag:s0] =	ssyncadd.tile.s32 @!p0 $0x1;
	_ =	shalt  }
.Lfunc_end2:
_tile_overlayer_lowered:
.L_overlay_start_2:
0x10b: {  	(tag) =	ssettag $0x2  }
0x10c: {  	s0 =	rddreg [dreg:$0x0];
	s2 =	stileid.u32  }
0x10d: {  	s1 =	rddreg [dreg:$0x1];
	p0 =	sne.s32 s2, $0x0  }
0x10e: {  	s3 =	rddreg [dreg:$0x2];
	[bflag:$0x3] =	sbarrier.arrive $0xFFFF;
	s2 =	simm.s32 @!p0 $0x1C02  }
0x10f: {  	[timem:s3], [sflag:s2] =	dma.local @!p0 [hbm:s0], s1  }
0x110: {  	s0 =	simm.s32 @!p0 $0x2  }
0x111: {  	_ =	swait.ge @!p0 [sflag:s0], s1  }
0x112: {  	s1 =	ssub.s32 @!p0 $0x0, s1;
	[sflag:s0] =	ssyncset.done @!p0 $0x0  }
0x113: {  	[sflag:s0] =	ssyncadd.s32 @!p0 s1  }
0x114: {  	[bflag:$0x3] =	sbarrier.arrive $0xFFFF  }
0x115: {  	_ =	shalt  }

</sc_bundles>
